<compile_context>
chip_gen: v7x
topology: tpu7x:2x2x1
jax: 0.10.2.dev20260603
libtpu: 0.0.44.dev20260713+nightly
codegen_flags: <defaults>
</compile_context>

<pallas_src>
import functools

import jax
import jax.numpy as jnp
from jax import lax
from jax.experimental import pallas as pl
from jax.experimental.pallas import tpu as pltpu
from jax.experimental.pallas import tpu_sc as plsc

_INFO = plsc.get_sparse_core_info()
_NC = _INFO.num_cores
_NS = _INFO.num_subcores
_NW = _NC * _NS

_B = 128 * 1024
_D = 64
_DP = 128
_C = 128
_NCHUNK = _B // _C
_CPW = _NCHUNK // _NW
_K = 2
_ROWS = _K * _C
_G = _CPW // _K


def _gather_body(codebook_hbm, idx_hbm, out_hbm,
                 idx_v, rows_ga, rows_gb, rows_c, gsem_a, gsem_b, wsem):
    wid = lax.axis_index("s") * _NC + lax.axis_index("c")
    row0 = wid * _CPW
    pltpu.sync_copy(idx_hbm.at[pl.ds(row0, _CPW)], idx_v)

    def fire_gathers(g, buf, gsem):
        for k in range(_K):
            pltpu.async_copy(
                codebook_hbm.at[idx_v.at[g * _K + k]],
                buf.at[pl.ds(k * _C, _C)],
                gsem,
            )

    def wait_gathers(buf, gsem):
        for k in range(_K):
            pltpu.make_async_copy(
                codebook_hbm.at[idx_v.at[0]],
                buf.at[pl.ds(k * _C, _C)],
                gsem,
            ).wait()

    def wait_write():
        pltpu.make_async_copy(
            rows_c, out_hbm.at[0, pl.ds(0, _ROWS)], wsem).wait()

    def compact(buf):
        def rowstep(r, carry):
            for u in range(4):
                for k in range(_D // 16):
                    rows_c[r * 4 + u, pl.ds(k * 16, 16)] = (
                        buf[r * 4 + u, pl.ds(k * 16, 16)])
            return carry
        lax.fori_loop(0, _ROWS // 4, rowstep, 0)

    def fire_write(g):
        flat0 = (row0 + g * _K) * _C
        pltpu.async_copy(
            rows_c,
            out_hbm.at[flat0 // 1024, pl.ds(flat0 % 1024, _ROWS)],
            wsem,
        )

    def handle(p, g, buf, gsem, next_g, next_buf, next_gsem, guard_next):
        if guard_next:
            @pl.when(next_g < _G)
            def _():
                fire_gathers(next_g, next_buf, next_gsem)
        else:
            fire_gathers(next_g, next_buf, next_gsem)
        wait_gathers(buf, gsem)

        @pl.when(p > 0)
        def _():
            wait_write()
        compact(buf)
        fire_write(g)

    fire_gathers(0, rows_ga, gsem_a)

    def pair(p, carry):
        handle(p, 2 * p, rows_ga, gsem_a, 2 * p + 1, rows_gb, gsem_b, False)
        handle(p + 1, 2 * p + 1, rows_gb, gsem_b,
               2 * p + 2, rows_ga, gsem_a, True)
        return carry

    lax.fori_loop(0, _G // 2, pair, 0)
    wait_write()


def _sc_gather(codebook_p, idx2d):
    k = pl.kernel(
        _gather_body,
        out_type=jax.ShapeDtypeStruct((128, 1024, _D), jnp.float32),
        mesh=plsc.VectorSubcoreMesh(core_axis_name="c", subcore_axis_name="s"),
        scratch_types=[
            pltpu.VMEM((_CPW, _C), jnp.int32),
            pltpu.VMEM((_ROWS, _DP), jnp.float32),
            pltpu.VMEM((_ROWS, _DP), jnp.float32),
            pltpu.VMEM((_ROWS, _D), jnp.float32),
            pltpu.SemaphoreType.DMA,
            pltpu.SemaphoreType.DMA,
            pltpu.SemaphoreType.DMA,
        ],
        compiler_params=pltpu.CompilerParams(
            use_tc_tiling_on_sc=True, needs_layout_passes=False,
            disable_bounds_checks=True),
    )
    return k(codebook_p, idx2d)


@functools.partial(jax.jit, static_argnames=())
def _gather(codebook_p, idx2d):
    return _sc_gather(codebook_p, idx2d)


def kernel(indices, codebook):
    idx2d = indices.reshape(_NCHUNK, _C)
    codebook_p = jnp.pad(codebook, ((0, 0), (0, _DP - _D)))
    return _gather(codebook_p, idx2d)

# --- scband reference (transcript-rebuilt; emitter-appended) ---
"""Pipeline reference for scband-inverse-vector-quantization-17944373362779 (READ-ONLY COPY).

The authoritative reference and input builder live on the scoring server;
editing this copy changes nothing except your own understanding.
"""

import jax, jax.numpy as jnp
import numpy as np


def setup_inputs(seed: int = 0) -> dict:
    key = jax.random.key(seed)
    k1, k2 = jax.random.split(key)
    indices = jax.random.randint(k1, (128, 1024), 0, 8192, dtype=jnp.int64 if jax.config.jax_enable_x64 else jnp.int32).astype(jnp.int32)
    codebook = jax.random.normal(k2, (8192, 64), dtype=jnp.float32)
    return {"indices": indices, "codebook": codebook}


def reference(indices, codebook):
    # Faithful translation of InverseVectorQuantization.forward:
    # xq = index_select(codebook, 0, indices.view(-1)).view(*indices.shape, M+1)
    target_shape = tuple(indices.shape) + (codebook.shape[-1],)
    flat_idx = indices.reshape(-1)
    xq = jnp.take(codebook, flat_idx, axis=0)
    xq = xq.reshape(target_shape)
    return xq

if __name__ == "__main__":
    import jax
    _d = setup_inputs()
    print(jax.jit(kernel)(*tuple(_d.values())))

</pallas_src>

<mosaic_0001>
#map = affine_map<(d0, d1) -> (0, 0)>
#map1 = affine_map<(d0, d1) -> (0, 0, 0)>
module attributes {stable_mosaic.version = 14 : i64} {
  func.func @_gather_body(%arg0: i32, %arg1: i32, %arg2: memref<8192x128xf32, #tpu.memory_space<hbm>>, %arg3: memref<1024x128xi32, #tpu.memory_space<hbm>>, %arg4: memref<128x1024x64xf32, #tpu.memory_space<hbm>>, %arg5: memref<32x128xi32, #tpu.memory_space<vmem>>, %arg6: memref<256x128xf32, #tpu.memory_space<vmem>>, %arg7: memref<256x128xf32, #tpu.memory_space<vmem>>, %arg8: memref<256x64xf32, #tpu.memory_space<vmem>>, %arg9: memref<!tpu.dma_semaphore, #tpu.memory_space<semaphore_mem>>, %arg10: memref<!tpu.dma_semaphore, #tpu.memory_space<semaphore_mem>>, %arg11: memref<!tpu.dma_semaphore, #tpu.memory_space<semaphore_mem>>) attributes {dimension_semantics = [#tpu.dimension_semantics<core_parallel>, #tpu.dimension_semantics<subcore_parallel>], iteration_bounds = array<i64: 2, 16>, scalar_prefetch = 0 : i64, scratch_operands = 7 : i64, tpu.core_type = #tpu.core_type<sc_vector_subcore>, window_params = [{transform_indices = #map}, {transform_indices = #map}, {transform_indices = #map1}]} {
    %mul3A = arith.constant 2 : i32
    %mul3A_0 = arith.muli %arg1, %mul3A : i32
    %add3A = arith.addi %mul3A_0, %arg0 : i32
    %mul3A_1 = arith.constant 32 : i32
    %mul3A_2 = arith.muli %add3A, %mul3A_1 : i32
    "tpu.region"() ({
      %run_scoped3A = tpu.sem_alloc : memref<!tpu.dma_semaphore, #tpu.memory_space<semaphore_mem>>
      %dma_start3A_35 = arith.constant 0 : i32
      %dma_start3A_36 = tpu.memref_slice %arg3[%mul3A_2, %dma_start3A_35] : memref<1024x128xi32, #tpu.memory_space<hbm>> -> memref<32x128xi32, #tpu.memory_space<hbm>>
      %dma_start3A_37 = arith.constant 0 : i32
      %dma_start3A_38 = tpu.memref_slice %arg3[%mul3A_2, %dma_start3A_37] : memref<1024x128xi32, #tpu.memory_space<hbm>> -> memref<32x128xi32, #tpu.memory_space<hbm>>
      tpu.enqueue_dma source(%dma_start3A_38 : memref<32x128xi32, #tpu.memory_space<hbm>>) target(%arg5 : memref<32x128xi32, #tpu.memory_space<vmem>>) target_semaphore(%run_scoped3A : memref<!tpu.dma_semaphore, #tpu.memory_space<semaphore_mem>>)
      %dma_wait3A_39 = arith.constant 0 : i32
      %dma_wait3A_40 = tpu.memref_slice %arg3[%mul3A_2, %dma_wait3A_39] : memref<1024x128xi32, #tpu.memory_space<hbm>> -> memref<32x128xi32, #tpu.memory_space<hbm>>
      %dma_wait3A_41 = arith.constant 0 : i32
      %dma_wait3A_42 = tpu.memref_slice %arg3[%mul3A_2, %dma_wait3A_41] : memref<1024x128xi32, #tpu.memory_space<hbm>> -> memref<32x128xi32, #tpu.memory_space<hbm>>
      tpu.wait_dma2 semaphore(%run_scoped3A : memref<!tpu.dma_semaphore, #tpu.memory_space<semaphore_mem>>) src(%dma_wait3A_42 : memref<32x128xi32, #tpu.memory_space<hbm>>) dst(%arg5 : memref<32x128xi32, #tpu.memory_space<vmem>>)
      tpu.yield
    }) : () -> ()
    %dma_start3A = arith.constant 0 : i32
    %dma_start3A_3 = arith.constant 0 : i32
    %dma_start3A_4 = arith.constant 0 : i32
    %dma_start3A_5 = tpu.memref_slice %arg6[%dma_start3A_3, %dma_start3A_4] : memref<256x128xf32, #tpu.memory_space<vmem>> -> memref<128x128xf32, #tpu.memory_space<vmem>>
    %dma_start3A_6 = arith.constant 0 : i32
    %dma_start3A_7 = tpu.memref_slice %arg5[%dma_start3A, %dma_start3A_6] : memref<32x128xi32, #tpu.memory_space<vmem>> -> memref<1x128xi32, #tpu.memory_space<vmem>>
    %dma_start3A_8 = tpu.memref_squeeze %dma_start3A_7 : memref<1x128xi32, #tpu.memory_space<vmem>> -> memref<128xi32, #tpu.memory_space<vmem>>
    %dma_start3A_9 = arith.constant 0 : i32
    %dma_start3A_10 = arith.constant 0 : i32
    %dma_start3A_11 = tpu.memref_slice %arg2[%dma_start3A_9, %dma_start3A_10] : memref<8192x128xf32, #tpu.memory_space<hbm>> -> memref<8192x128xf32, #tpu.memory_space<hbm>>
    tpu.enqueue_indirect_dma source(%dma_start3A_11 : memref<8192x128xf32, #tpu.memory_space<hbm>>) target(%dma_start3A_5 : memref<128x128xf32, #tpu.memory_space<vmem>>) offsets(%dma_start3A_8 : memref<128xi32, #tpu.memory_space<vmem>>) semaphore(%arg9 : memref<!tpu.dma_semaphore, #tpu.memory_space<semaphore_mem>>)
    %dma_start3A_12 = arith.constant 1 : i32
    %dma_start3A_13 = arith.constant 128 : i32
    %dma_start3A_14 = arith.constant 0 : i32
    %dma_start3A_15 = tpu.memref_slice %arg6[%dma_start3A_13, %dma_start3A_14] : memref<256x128xf32, #tpu.memory_space<vmem>> -> memref<128x128xf32, #tpu.memory_space<vmem>>
    %dma_start3A_16 = arith.constant 0 : i32
    %dma_start3A_17 = tpu.memref_slice %arg5[%dma_start3A_12, %dma_start3A_16] : memref<32x128xi32, #tpu.memory_space<vmem>> -> memref<1x128xi32, #tpu.memory_space<vmem>>
    %dma_start3A_18 = tpu.memref_squeeze %dma_start3A_17 : memref<1x128xi32, #tpu.memory_space<vmem>> -> memref<128xi32, #tpu.memory_space<vmem>>
    %dma_start3A_19 = arith.constant 0 : i32
    %dma_start3A_20 = arith.constant 0 : i32
    %dma_start3A_21 = tpu.memref_slice %arg2[%dma_start3A_19, %dma_start3A_20] : memref<8192x128xf32, #tpu.memory_space<hbm>> -> memref<8192x128xf32, #tpu.memory_space<hbm>>
    tpu.enqueue_indirect_dma source(%dma_start3A_21 : memref<8192x128xf32, #tpu.memory_space<hbm>>) target(%dma_start3A_15 : memref<128x128xf32, #tpu.memory_space<vmem>>) offsets(%dma_start3A_18 : memref<128xi32, #tpu.memory_space<vmem>>) semaphore(%arg9 : memref<!tpu.dma_semaphore, #tpu.memory_space<semaphore_mem>>)
    %scan3A = arith.constant 0 : i32
    %scan3A_22 = arith.constant 0 : i32
    %scan3A_23 = arith.constant 8 : i32
    %scan3A_24 = arith.addi %scan3A_22, %scan3A_23 : i32
    %scan3A_25 = arith.constant 1 : i32
    scf.for %scan3A_35 = %scan3A_22 to %scan3A_24 step %scan3A_25  : i32 {
      %mul3A_36 = arith.constant 2 : i32
      %mul3A_37 = arith.muli %mul3A_36, %scan3A_35 : i32
      %mul3A_38 = arith.constant 2 : i32
      %mul3A_39 = arith.muli %mul3A_38, %scan3A_35 : i32
      %add3A_40 = arith.constant 1 : i32
      %add3A_41 = arith.addi %mul3A_39, %add3A_40 : i32
      %mul3A_42 = arith.constant 2 : i32
      %mul3A_43 = arith.muli %add3A_41, %mul3A_42 : i32
      %add3A_44 = arith.constant 0 : i32
      %add3A_45 = arith.addi %mul3A_43, %add3A_44 : i32
      %dma_start3A_46 = arith.constant 0 : i32
      %dma_start3A_47 = arith.constant 0 : i32
      %dma_start3A_48 = tpu.memref_slice %arg7[%dma_start3A_46, %dma_start3A_47] : memref<256x128xf32, #tpu.memory_space<vmem>> -> memref<128x128xf32, #tpu.memory_space<vmem>>
      %dma_start3A_49 = arith.constant 0 : i32
      %dma_start3A_50 = tpu.memref_slice %arg5[%add3A_45, %dma_start3A_49] : memref<32x128xi32, #tpu.memory_space<vmem>> -> memref<1x128xi32, #tpu.memory_space<vmem>>
      %dma_start3A_51 = tpu.memref_squeeze %dma_start3A_50 : memref<1x128xi32, #tpu.memory_space<vmem>> -> memref<128xi32, #tpu.memory_space<vmem>>
      %dma_start3A_52 = arith.constant 0 : i32
      %dma_start3A_53 = arith.constant 0 : i32
      %dma_start3A_54 = tpu.memref_slice %arg2[%dma_start3A_52, %dma_start3A_53] : memref<8192x128xf32, #tpu.memory_space<hbm>> -> memref<8192x128xf32, #tpu.memory_space<hbm>>
      tpu.enqueue_indirect_dma source(%dma_start3A_54 : memref<8192x128xf32, #tpu.memory_space<hbm>>) target(%dma_start3A_48 : memref<128x128xf32, #tpu.memory_space<vmem>>) offsets(%dma_start3A_51 : memref<128xi32, #tpu.memory_space<vmem>>) semaphore(%arg10 : memref<!tpu.dma_semaphore, #tpu.memory_space<semaphore_mem>>)
      %mul3A_55 = arith.constant 2 : i32
      %mul3A_56 = arith.muli %add3A_41, %mul3A_55 : i32
      %add3A_57 = arith.constant 1 : i32
      %add3A_58 = arith.addi %mul3A_56, %add3A_57 : i32
      %dma_start3A_59 = arith.constant 128 : i32
      %dma_start3A_60 = arith.constant 0 : i32
      %dma_start3A_61 = tpu.memref_slice %arg7[%dma_start3A_59, %dma_start3A_60] : memref<256x128xf32, #tpu.memory_space<vmem>> -> memref<128x128xf32, #tpu.memory_space<vmem>>
      %dma_start3A_62 = arith.constant 0 : i32
      %dma_start3A_63 = tpu.memref_slice %arg5[%add3A_58, %dma_start3A_62] : memref<32x128xi32, #tpu.memory_space<vmem>> -> memref<1x128xi32, #tpu.memory_space<vmem>>
      %dma_start3A_64 = tpu.memref_squeeze %dma_start3A_63 : memref<1x128xi32, #tpu.memory_space<vmem>> -> memref<128xi32, #tpu.memory_space<vmem>>
      %dma_start3A_65 = arith.constant 0 : i32
      %dma_start3A_66 = arith.constant 0 : i32
      %dma_start3A_67 = tpu.memref_slice %arg2[%dma_start3A_65, %dma_start3A_66] : memref<8192x128xf32, #tpu.memory_space<hbm>> -> memref<8192x128xf32, #tpu.memory_space<hbm>>
      tpu.enqueue_indirect_dma source(%dma_start3A_67 : memref<8192x128xf32, #tpu.memory_space<hbm>>) target(%dma_start3A_61 : memref<128x128xf32, #tpu.memory_space<vmem>>) offsets(%dma_start3A_64 : memref<128xi32, #tpu.memory_space<vmem>>) semaphore(%arg10 : memref<!tpu.dma_semaphore, #tpu.memory_space<semaphore_mem>>)
      %dma_wait3A_68 = arith.constant 0 : i32
      %dma_wait3A_69 = arith.constant 0 : i32
      %dma_wait3A_70 = arith.constant 0 : i32
      %dma_wait3A_71 = tpu.memref_slice %arg6[%dma_wait3A_69, %dma_wait3A_70] : memref<256x128xf32, #tpu.memory_space<vmem>> -> memref<128x128xf32, #tpu.memory_space<vmem>>
      %dma_wait3A_72 = arith.constant 0 : i32
      %dma_wait3A_73 = tpu.memref_slice %arg5[%dma_wait3A_68, %dma_wait3A_72] : memref<32x128xi32, #tpu.memory_space<vmem>> -> memref<1x128xi32, #tpu.memory_space<vmem>>
      %dma_wait3A_74 = tpu.memref_squeeze %dma_wait3A_73 : memref<1x128xi32, #tpu.memory_space<vmem>> -> memref<128xi32, #tpu.memory_space<vmem>>
      %dma_wait3A_75 = arith.constant 0 : i32
      %dma_wait3A_76 = arith.constant 0 : i32
      %dma_wait3A_77 = tpu.memref_slice %arg2[%dma_wait3A_75, %dma_wait3A_76] : memref<8192x128xf32, #tpu.memory_space<hbm>> -> memref<8192x128xf32, #tpu.memory_space<hbm>>
      tpu.wait_indirect_dma semaphore(%arg9 : memref<!tpu.dma_semaphore, #tpu.memory_space<semaphore_mem>>) src(%dma_wait3A_77 : memref<8192x128xf32, #tpu.memory_space<hbm>>) dst(%dma_wait3A_71 : memref<128x128xf32, #tpu.memory_space<vmem>>)
      %dma_wait3A_78 = arith.constant 0 : i32
      %dma_wait3A_79 = arith.constant 128 : i32
      %dma_wait3A_80 = arith.constant 0 : i32
      %dma_wait3A_81 = tpu.memref_slice %arg6[%dma_wait3A_79, %dma_wait3A_80] : memref<256x128xf32, #tpu.memory_space<vmem>> -> memref<128x128xf32, #tpu.memory_space<vmem>>
      %dma_wait3A_82 = arith.constant 0 : i32
      %dma_wait3A_83 = tpu.memref_slice %arg5[%dma_wait3A_78, %dma_wait3A_82] : memref<32x128xi32, #tpu.memory_space<vmem>> -> memref<1x128xi32, #tpu.memory_space<vmem>>
      %dma_wait3A_84 = tpu.memref_squeeze %dma_wait3A_83 : memref<1x128xi32, #tpu.memory_space<vmem>> -> memref<128xi32, #tpu.memory_space<vmem>>
      %dma_wait3A_85 = arith.constant 0 : i32
      %dma_wait3A_86 = arith.constant 0 : i32
      %dma_wait3A_87 = tpu.memref_slice %arg2[%dma_wait3A_85, %dma_wait3A_86] : memref<8192x128xf32, #tpu.memory_space<hbm>> -> memref<8192x128xf32, #tpu.memory_space<hbm>>
      tpu.wait_indirect_dma semaphore(%arg9 : memref<!tpu.dma_semaphore, #tpu.memory_space<semaphore_mem>>) src(%dma_wait3A_87 : memref<8192x128xf32, #tpu.memory_space<hbm>>) dst(%dma_wait3A_81 : memref<128x128xf32, #tpu.memory_space<vmem>>)
      %gt3A = arith.constant 0 : i32
      %gt3A_88 = arith.cmpi sgt, %scan3A_35, %gt3A : i32
      %convert_element_type3A = arith.extui %gt3A_88 : i1 to i32
      %cond3A = arith.constant 0 : i32
      %cond3A_89 = arith.cmpi ne, %convert_element_type3A, %cond3A : i32
      scf.if %cond3A_89 {
        %dma_wait3A_234 = arith.constant 0 : i32
        %dma_wait3A_235 = arith.constant 0 : i32
        %dma_wait3A_236 = arith.constant 0 : i32
        %dma_wait3A_237 = tpu.memref_slice %arg4[%dma_wait3A_234, %dma_wait3A_235, %dma_wait3A_236] : memref<128x1024x64xf32, #tpu.memory_space<hbm>> -> memref<1x256x64xf32, #tpu.memory_space<hbm>>
        %dma_wait3A_238 = tpu.memref_squeeze %dma_wait3A_237 : memref<1x256x64xf32, #tpu.memory_space<hbm>> -> memref<256x64xf32, #tpu.memory_space<hbm>>
        %dma_wait3A_239 = arith.constant 0 : i32
        %dma_wait3A_240 = arith.constant 0 : i32
        %dma_wait3A_241 = tpu.memref_slice %arg4[%dma_wait3A_234, %dma_wait3A_239, %dma_wait3A_240] : memref<128x1024x64xf32, #tpu.memory_space<hbm>> -> memref<1x256x64xf32, #tpu.memory_space<hbm>>
        %dma_wait3A_242 = tpu.memref_squeeze %dma_wait3A_241 : memref<1x256x64xf32, #tpu.memory_space<hbm>> -> memref<256x64xf32, #tpu.memory_space<hbm>>
        tpu.wait_dma2 semaphore(%arg11 : memref<!tpu.dma_semaphore, #tpu.memory_space<semaphore_mem>>) src(%arg8 : memref<256x64xf32, #tpu.memory_space<vmem>>) dst(%dma_wait3A_242 : memref<256x64xf32, #tpu.memory_space<hbm>>)
      } else {
      }
      %scan3A_90 = arith.constant 0 : i32
      %scan3A_91 = arith.constant 0 : i32
      %scan3A_92 = arith.constant 64 : i32
      %scan3A_93 = arith.addi %scan3A_91, %scan3A_92 : i32
      %scan3A_94 = arith.constant 1 : i32
      scf.for %scan3A_234 = %scan3A_91 to %scan3A_93 step %scan3A_94  : i32 {
        %mul3A_235 = arith.constant 4 : i32
        %mul3A_236 = arith.muli %scan3A_234, %mul3A_235 : i32
        %add3A_237 = arith.constant 0 : i32
        %add3A_238 = arith.addi %mul3A_236, %add3A_237 : i32
        %get3A = arith.index_cast %add3A_238 : i32 to index
        %get3A_239 = arith.constant 0 : index
        %get3A_240 = tpu.vector_load %arg6[%get3A, %get3A_239] {strides = array<i32>} : memref<256x128xf32, #tpu.memory_space<vmem>>, vector<16xf32>,
        %mul3A_241 = arith.constant 4 : i32
        %mul3A_242 = arith.muli %scan3A_234, %mul3A_241 : i32
        %add3A_243 = arith.constant 0 : i32
        %add3A_244 = arith.addi %mul3A_242, %add3A_243 : i32
        %swap3A = arith.index_cast %add3A_244 : i32 to index
        %swap3A_245 = arith.constant 0 : index
        %swap3A_246 = tpu.vector_load %arg8[%swap3A, %swap3A_245] {strides = array<i32>} : memref<256x64xf32, #tpu.memory_space<vmem>>, vector<16xf32>,
        tpu.vector_store %arg8[%swap3A, %swap3A_245], %get3A_240 {strides = array<i32>} : memref<256x64xf32, #tpu.memory_space<vmem>>, vector<16xf32>,
        %mul3A_247 = arith.constant 4 : i32
        %mul3A_248 = arith.muli %scan3A_234, %mul3A_247 : i32
        %add3A_249 = arith.constant 0 : i32
        %add3A_250 = arith.addi %mul3A_248, %add3A_249 : i32
        %get3A_251 = arith.index_cast %add3A_250 : i32 to index
        %get3A_252 = arith.constant 16 : index
        %get3A_253 = tpu.vector_load %arg6[%get3A_251, %get3A_252] {strides = array<i32>} : memref<256x128xf32, #tpu.memory_space<vmem>>, vector<16xf32>,
        %mul3A_254 = arith.constant 4 : i32
        %mul3A_255 = arith.muli %scan3A_234, %mul3A_254 : i32
        %add3A_256 = arith.constant 0 : i32
        %add3A_257 = arith.addi %mul3A_255, %add3A_256 : i32
        %swap3A_258 = arith.index_cast %add3A_257 : i32 to index
        %swap3A_259 = arith.constant 16 : index
        %swap3A_260 = tpu.vector_load %arg8[%swap3A_258, %swap3A_259] {strides = array<i32>} : memref<256x64xf32, #tpu.memory_space<vmem>>, vector<16xf32>,
        tpu.vector_store %arg8[%swap3A_258, %swap3A_259], %get3A_253 {strides = array<i32>} : memref<256x64xf32, #tpu.memory_space<vmem>>, vector<16xf32>,
        %mul3A_261 = arith.constant 4 : i32
        %mul3A_262 = arith.muli %scan3A_234, %mul3A_261 : i32
        %add3A_263 = arith.constant 0 : i32
        %add3A_264 = arith.addi %mul3A_262, %add3A_263 : i32
        %get3A_265 = arith.index_cast %add3A_264 : i32 to index
        %get3A_266 = arith.constant 32 : index
        %get3A_267 = tpu.vector_load %arg6[%get3A_265, %get3A_266] {strides = array<i32>} : memref<256x128xf32, #tpu.memory_space<vmem>>, vector<16xf32>,
        %mul3A_268 = arith.constant 4 : i32
        %mul3A_269 = arith.muli %scan3A_234, %mul3A_268 : i32
        %add3A_270 = arith.constant 0 : i32
        %add3A_271 = arith.addi %mul3A_269, %add3A_270 : i32
        %swap3A_272 = arith.index_cast %add3A_271 : i32 to index
        %swap3A_273 = arith.constant 32 : index
        %swap3A_274 = tpu.vector_load %arg8[%swap3A_272, %swap3A_273] {strides = array<i32>} : memref<256x64xf32, #tpu.memory_space<vmem>>, vector<16xf32>,
        tpu.vector_store %arg8[%swap3A_272, %swap3A_273], %get3A_267 {strides = array<i32>} : memref<256x64xf32, #tpu.memory_space<vmem>>, vector<16xf32>,
        %mul3A_275 = arith.constant 4 : i32
        %mul3A_276 = arith.muli %scan3A_234, %mul3A_275 : i32
        %add3A_277 = arith.constant 0 : i32
        %add3A_278 = arith.addi %mul3A_276, %add3A_277 : i32
        %get3A_279 = arith.index_cast %add3A_278 : i32 to index
        %get3A_280 = arith.constant 48 : index
        %get3A_281 = tpu.vector_load %arg6[%get3A_279, %get3A_280] {strides = array<i32>} : memref<256x128xf32, #tpu.memory_space<vmem>>, vector<16xf32>,
        %mul3A_282 = arith.constant 4 : i32
        %mul3A_283 = arith.muli %scan3A_234, %mul3A_282 : i32
        %add3A_284 = arith.constant 0 : i32
        %add3A_285 = arith.addi %mul3A_283, %add3A_284 : i32
        %swap3A_286 = arith.index_cast %add3A_285 : i32 to index
        %swap3A_287 = arith.constant 48 : index
        %swap3A_288 = tpu.vector_load %arg8[%swap3A_286, %swap3A_287] {strides = array<i32>} : memref<256x64xf32, #tpu.memory_space<vmem>>, vector<16xf32>,
        tpu.vector_store %arg8[%swap3A_286, %swap3A_287], %get3A_281 {strides = array<i32>} : memref<256x64xf32, #tpu.memory_space<vmem>>, vector<16xf32>,
        %mul3A_289 = arith.constant 4 : i32
        %mul3A_290 = arith.muli %scan3A_234, %mul3A_289 : i32
        %add3A_291 = arith.constant 1 : i32
        %add3A_292 = arith.addi %mul3A_290, %add3A_291 : i32
        %get3A_293 = arith.index_cast %add3A_292 : i32 to index
        %get3A_294 = arith.constant 0 : index
        %get3A_295 = tpu.vector_load %arg6[%get3A_293, %get3A_294] {strides = array<i32>} : memref<256x128xf32, #tpu.memory_space<vmem>>, vector<16xf32>,
        %mul3A_296 = arith.constant 4 : i32
        %mul3A_297 = arith.muli %scan3A_234, %mul3A_296 : i32
        %add3A_298 = arith.constant 1 : i32
        %add3A_299 = arith.addi %mul3A_297, %add3A_298 : i32
        %swap3A_300 = arith.index_cast %add3A_299 : i32 to index
        %swap3A_301 = arith.constant 0 : index
        %swap3A_302 = tpu.vector_load %arg8[%swap3A_300, %swap3A_301] {strides = array<i32>} : memref<256x64xf32, #tpu.memory_space<vmem>>, vector<16xf32>,
        tpu.vector_store %arg8[%swap3A_300, %swap3A_301], %get3A_295 {strides = array<i32>} : memref<256x64xf32, #tpu.memory_space<vmem>>, vector<16xf32>,
        %mul3A_303 = arith.constant 4 : i32
        %mul3A_304 = arith.muli %scan3A_234, %mul3A_303 : i32
        %add3A_305 = arith.constant 1 : i32
        %add3A_306 = arith.addi %mul3A_304, %add3A_305 : i32
        %get3A_307 = arith.index_cast %add3A_306 : i32 to index
        %get3A_308 = arith.constant 16 : index
        %get3A_309 = tpu.vector_load %arg6[%get3A_307, %get3A_308] {strides = array<i32>} : memref<256x128xf32, #tpu.memory_space<vmem>>, vector<16xf32>,
        %mul3A_310 = arith.constant 4 : i32
        %mul3A_311 = arith.muli %scan3A_234, %mul3A_310 : i32
        %add3A_312 = arith.constant 1 : i32
        %add3A_313 = arith.addi %mul3A_311, %add3A_312 : i32
        %swap3A_314 = arith.index_cast %add3A_313 : i32 to index
        %swap3A_315 = arith.constant 16 : index
        %swap3A_316 = tpu.vector_load %arg8[%swap3A_314, %swap3A_315] {strides = array<i32>} : memref<256x64xf32, #tpu.memory_space<vmem>>, vector<16xf32>,
        tpu.vector_store %arg8[%swap3A_314, %swap3A_315], %get3A_309 {strides = array<i32>} : memref<256x64xf32, #tpu.memory_space<vmem>>, vector<16xf32>,
        %mul3A_317 = arith.constant 4 : i32
        %mul3A_318 = arith.muli %scan3A_234, %mul3A_317 : i32
        %add3A_319 = arith.constant 1 : i32
        %add3A_320 = arith.addi %mul3A_318, %add3A_319 : i32
        %get3A_321 = arith.index_cast %add3A_320 : i32 to index
        %get3A_322 = arith.constant 32 : index
        %get3A_323 = tpu.vector_load %arg6[%get3A_321, %get3A_322] {strides = array<i32>} : memref<256x128xf32, #tpu.memory_space<vmem>>, vector<16xf32>,
        %mul3A_324 = arith.constant 4 : i32
        %mul3A_325 = arith.muli %scan3A_234, %mul3A_324 : i32
        %add3A_326 = arith.constant 1 : i32
        %add3A_327 = arith.addi %mul3A_325, %add3A_326 : i32
        %swap3A_328 = arith.index_cast %add3A_327 : i32 to index
        %swap3A_329 = arith.constant 32 : index
        %swap3A_330 = tpu.vector_load %arg8[%swap3A_328, %swap3A_329] {strides = array<i32>} : memref<256x64xf32, #tpu.memory_space<vmem>>, vector<16xf32>,
        tpu.vector_store %arg8[%swap3A_328, %swap3A_329], %get3A_323 {strides = array<i32>} : memref<256x64xf32, #tpu.memory_space<vmem>>, vector<16xf32>,
        %mul3A_331 = arith.constant 4 : i32
        %mul3A_332 = arith.muli %scan3A_234, %mul3A_331 : i32
        %add3A_333 = arith.constant 1 : i32
        %add3A_334 = arith.addi %mul3A_332, %add3A_333 : i32
        %get3A_335 = arith.index_cast %add3A_334 : i32 to index
        %get3A_336 = arith.constant 48 : index
        %get3A_337 = tpu.vector_load %arg6[%get3A_335, %get3A_336] {strides = array<i32>} : memref<256x128xf32, #tpu.memory_space<vmem>>, vector<16xf32>,
        %mul3A_338 = arith.constant 4 : i32
        %mul3A_339 = arith.muli %scan3A_234, %mul3A_338 : i32
        %add3A_340 = arith.constant 1 : i32
        %add3A_341 = arith.addi %mul3A_339, %add3A_340 : i32
        %swap3A_342 = arith.index_cast %add3A_341 : i32 to index
        %swap3A_343 = arith.constant 48 : index
        %swap3A_344 = tpu.vector_load %arg8[%swap3A_342, %swap3A_343] {strides = array<i32>} : memref<256x64xf32, #tpu.memory_space<vmem>>, vector<16xf32>,
        tpu.vector_store %arg8[%swap3A_342, %swap3A_343], %get3A_337 {strides = array<i32>} : memref<256x64xf32, #tpu.memory_space<vmem>>, vector<16xf32>,
        %mul3A_345 = arith.constant 4 : i32
        %mul3A_346 = arith.muli %scan3A_234, %mul3A_345 : i32
        %add3A_347 = arith.constant 2 : i32
        %add3A_348 = arith.addi %mul3A_346, %add3A_347 : i32
        %get3A_349 = arith.index_cast %add3A_348 : i32 to index
        %get3A_350 = arith.constant 0 : index
        %get3A_351 = tpu.vector_load %arg6[%get3A_349, %get3A_350] {strides = array<i32>} : memref<256x128xf32, #tpu.memory_space<vmem>>, vector<16xf32>,
        %mul3A_352 = arith.constant 4 : i32
        %mul3A_353 = arith.muli %scan3A_234, %mul3A_352 : i32
        %add3A_354 = arith.constant 2 : i32
        %add3A_355 = arith.addi %mul3A_353, %add3A_354 : i32
        %swap3A_356 = arith.index_cast %add3A_355 : i32 to index
        %swap3A_357 = arith.constant 0 : index
        %swap3A_358 = tpu.vector_load %arg8[%swap3A_356, %swap3A_357] {strides = array<i32>} : memref<256x64xf32, #tpu.memory_space<vmem>>, vector<16xf32>,
        tpu.vector_store %arg8[%swap3A_356, %swap3A_357], %get3A_351 {strides = array<i32>} : memref<256x64xf32, #tpu.memory_space<vmem>>, vector<16xf32>,
        %mul3A_359 = arith.constant 4 : i32
        %mul3A_360 = arith.muli %scan3A_234, %mul3A_359 : i32
        %add3A_361 = arith.constant 2 : i32
        %add3A_362 = arith.addi %mul3A_360, %add3A_361 : i32
        %get3A_363 = arith.index_cast %add3A_362 : i32 to index
        %get3A_364 = arith.constant 16 : index
        %get3A_365 = tpu.vector_load %arg6[%get3A_363, %get3A_364] {strides = array<i32>} : memref<256x128xf32, #tpu.memory_space<vmem>>, vector<16xf32>,
        %mul3A_366 = arith.constant 4 : i32
        %mul3A_367 = arith.muli %scan3A_234, %mul3A_366 : i32
        %add3A_368 = arith.constant 2 : i32
        %add3A_369 = arith.addi %mul3A_367, %add3A_368 : i32
        %swap3A_370 = arith.index_cast %add3A_369 : i32 to index
        %swap3A_371 = arith.constant 16 : index
        %swap3A_372 = tpu.vector_load %arg8[%swap3A_370, %swap3A_371] {strides = array<i32>} : memref<256x64xf32, #tpu.memory_space<vmem>>, vector<16xf32>,
        tpu.vector_store %arg8[%swap3A_370, %swap3A_371], %get3A_365 {strides = array<i32>} : memref<256x64xf32, #tpu.memory_space<vmem>>, vector<16xf32>,
        %mul3A_373 = arith.constant 4 : i32
        %mul3A_374 = arith.muli %scan3A_234, %mul3A_373 : i32
        %add3A_375 = arith.constant 2 : i32
        %add3A_376 = arith.addi %mul3A_374, %add3A_375 : i32
        %get3A_377 = arith.index_cast %add3A_376 : i32 to index
        %get3A_378 = arith.constant 32 : index
        %get3A_379 = tpu.vector_load %arg6[%get3A_377, %get3A_378] {strides = array<i32>} : memref<256x128xf32, #tpu.memory_space<vmem>>, vector<16xf32>,
        %mul3A_380 = arith.constant 4 : i32
        %mul3A_381 = arith.muli %scan3A_234, %mul3A_380 : i32
        %add3A_382 = arith.constant 2 : i32
        %add3A_383 = arith.addi %mul3A_381, %add3A_382 : i32
        %swap3A_384 = arith.index_cast %add3A_383 : i32 to index
        %swap3A_385 = arith.constant 32 : index
        %swap3A_386 = tpu.vector_load %arg8[%swap3A_384, %swap3A_385] {strides = array<i32>} : memref<256x64xf32, #tpu.memory_space<vmem>>, vector<16xf32>,
        tpu.vector_store %arg8[%swap3A_384, %swap3A_385], %get3A_379 {strides = array<i32>} : memref<256x64xf32, #tpu.memory_space<vmem>>, vector<16xf32>,
        %mul3A_387 = arith.constant 4 : i32
        %mul3A_388 = arith.muli %scan3A_234, %mul3A_387 : i32
        %add3A_389 = arith.constant 2 : i32
        %add3A_390 = arith.addi %mul3A_388, %add3A_389 : i32
        %get3A_391 = arith.index_cast %add3A_390 : i32 to index
        %get3A_392 = arith.constant 48 : index
        %get3A_393 = tpu.vector_load %arg6[%get3A_391, %get3A_392] {strides = array<i32>} : memref<256x128xf32, #tpu.memory_space<vmem>>, vector<16xf32>,
        %mul3A_394 = arith.constant 4 : i32
        %mul3A_395 = arith.muli %scan3A_234, %mul3A_394 : i32
        %add3A_396 = arith.constant 2 : i32
        %add3A_397 = arith.addi %mul3A_395, %add3A_396 : i32
        %swap3A_398 = arith.index_cast %add3A_397 : i32 to index
        %swap3A_399 = arith.constant 48 : index
        %swap3A_400 = tpu.vector_load %arg8[%swap3A_398, %swap3A_399] {strides = array<i32>} : memref<256x64xf32, #tpu.memory_space<vmem>>, vector<16xf32>,
        tpu.vector_store %arg8[%swap3A_398, %swap3A_399], %get3A_393 {strides = array<i32>} : memref<256x64xf32, #tpu.memory_space<vmem>>, vector<16xf32>,
        %mul3A_401 = arith.constant 4 : i32
        %mul3A_402 = arith.muli %scan3A_234, %mul3A_401 : i32
        %add3A_403 = arith.constant 3 : i32
        %add3A_404 = arith.addi %mul3A_402, %add3A_403 : i32
        %get3A_405 = arith.index_cast %add3A_404 : i32 to index
        %get3A_406 = arith.constant 0 : index
        %get3A_407 = tpu.vector_load %arg6[%get3A_405, %get3A_406] {strides = array<i32>} : memref<256x128xf32, #tpu.memory_space<vmem>>, vector<16xf32>,
        %mul3A_408 = arith.constant 4 : i32
        %mul3A_409 = arith.muli %scan3A_234, %mul3A_408 : i32
        %add3A_410 = arith.constant 3 : i32
        %add3A_411 = arith.addi %mul3A_409, %add3A_410 : i32
        %swap3A_412 = arith.index_cast %add3A_411 : i32 to index
        %swap3A_413 = arith.constant 0 : index
        %swap3A_414 = tpu.vector_load %arg8[%swap3A_412, %swap3A_413] {strides = array<i32>} : memref<256x64xf32, #tpu.memory_space<vmem>>, vector<16xf32>,
        tpu.vector_store %arg8[%swap3A_412, %swap3A_413], %get3A_407 {strides = array<i32>} : memref<256x64xf32, #tpu.memory_space<vmem>>, vector<16xf32>,
        %mul3A_415 = arith.constant 4 : i32
        %mul3A_416 = arith.muli %scan3A_234, %mul3A_415 : i32
        %add3A_417 = arith.constant 3 : i32
        %add3A_418 = arith.addi %mul3A_416, %add3A_417 : i32
        %get3A_419 = arith.index_cast %add3A_418 : i32 to index
        %get3A_420 = arith.constant 16 : index
        %get3A_421 = tpu.vector_load %arg6[%get3A_419, %get3A_420] {strides = array<i32>} : memref<256x128xf32, #tpu.memory_space<vmem>>, vector<16xf32>,
        %mul3A_422 = arith.constant 4 : i32
        %mul3A_423 = arith.muli %scan3A_234, %mul3A_422 : i32
        %add3A_424 = arith.constant 3 : i32
        %add3A_425 = arith.addi %mul3A_423, %add3A_424 : i32
        %swap3A_426 = arith.index_cast %add3A_425 : i32 to index
        %swap3A_427 = arith.constant 16 : index
        %swap3A_428 = tpu.vector_load %arg8[%swap3A_426, %swap3A_427] {strides = array<i32>} : memref<256x64xf32, #tpu.memory_space<vmem>>, vector<16xf32>,
        tpu.vector_store %arg8[%swap3A_426, %swap3A_427], %get3A_421 {strides = array<i32>} : memref<256x64xf32, #tpu.memory_space<vmem>>, vector<16xf32>,
        %mul3A_429 = arith.constant 4 : i32
        %mul3A_430 = arith.muli %scan3A_234, %mul3A_429 : i32
        %add3A_431 = arith.constant 3 : i32
        %add3A_432 = arith.addi %mul3A_430, %add3A_431 : i32
        %get3A_433 = arith.index_cast %add3A_432 : i32 to index
        %get3A_434 = arith.constant 32 : index
        %get3A_435 = tpu.vector_load %arg6[%get3A_433, %get3A_434] {strides = array<i32>} : memref<256x128xf32, #tpu.memory_space<vmem>>, vector<16xf32>,
        %mul3A_436 = arith.constant 4 : i32
        %mul3A_437 = arith.muli %scan3A_234, %mul3A_436 : i32
        %add3A_438 = arith.constant 3 : i32
        %add3A_439 = arith.addi %mul3A_437, %add3A_438 : i32
        %swap3A_440 = arith.index_cast %add3A_439 : i32 to index
        %swap3A_441 = arith.constant 32 : index
        %swap3A_442 = tpu.vector_load %arg8[%swap3A_440, %swap3A_441] {strides = array<i32>} : memref<256x64xf32, #tpu.memory_space<vmem>>, vector<16xf32>,
        tpu.vector_store %arg8[%swap3A_440, %swap3A_441], %get3A_435 {strides = array<i32>} : memref<256x64xf32, #tpu.memory_space<vmem>>, vector<16xf32>,
        %mul3A_443 = arith.constant 4 : i32
        %mul3A_444 = arith.muli %scan3A_234, %mul3A_443 : i32
        %add3A_445 = arith.constant 3 : i32
        %add3A_446 = arith.addi %mul3A_444, %add3A_445 : i32
        %get3A_447 = arith.index_cast %add3A_446 : i32 to index
        %get3A_448 = arith.constant 48 : index
        %get3A_449 = tpu.vector_load %arg6[%get3A_447, %get3A_448] {strides = array<i32>} : memref<256x128xf32, #tpu.memory_space<vmem>>, vector<16xf32>,
        %mul3A_450 = arith.constant 4 : i32
        %mul3A_451 = arith.muli %scan3A_234, %mul3A_450 : i32
        %add3A_452 = arith.constant 3 : i32
        %add3A_453 = arith.addi %mul3A_451, %add3A_452 : i32
        %swap3A_454 = arith.index_cast %add3A_453 : i32 to index
        %swap3A_455 = arith.constant 48 : index
        %swap3A_456 = tpu.vector_load %arg8[%swap3A_454, %swap3A_455] {strides = array<i32>} : memref<256x64xf32, #tpu.memory_space<vmem>>, vector<16xf32>,
        tpu.vector_store %arg8[%swap3A_454, %swap3A_455], %get3A_449 {strides = array<i32>} : memref<256x64xf32, #tpu.memory_space<vmem>>, vector<16xf32>,
      }
      %scan3A_95 = arith.constant 64 : i32
      %mul3A_96 = arith.constant 2 : i32
      %mul3A_97 = arith.muli %mul3A_37, %mul3A_96 : i32
      %add3A_98 = arith.addi %mul3A_2, %mul3A_97 : i32
      %mul3A_99 = arith.constant 128 : i32
      %mul3A_100 = arith.muli %add3A_98, %mul3A_99 : i32
      %jit3A = arith.constant 1024 : i32
      %div3A = arith.divsi %mul3A_100, %jit3A : i32
      %sign3A = arith.constant 0 : i32
      %sign3A_101 = arith.cmpi sgt, %mul3A_100, %sign3A : i32
      %sign3A_102 = arith.extui %sign3A_101 : i1 to i32
      %sign3A_103 = arith.constant 0 : i32
      %sign3A_104 = arith.cmpi slt, %mul3A_100, %sign3A_103 : i32
      %sign3A_105 = arith.extui %sign3A_104 : i1 to i32
      %sign3A_106 = arith.subi %sign3A_102, %sign3A_105 : i32
      %sign3A_107 = arith.constant 0 : i32
      %sign3A_108 = arith.cmpi sgt, %jit3A, %sign3A_107 : i32
      %sign3A_109 = arith.extui %sign3A_108 : i1 to i32
      %sign3A_110 = arith.constant 0 : i32
      %sign3A_111 = arith.cmpi slt, %jit3A, %sign3A_110 : i32
      %sign3A_112 = arith.extui %sign3A_111 : i1 to i32
      %sign3A_113 = arith.subi %sign3A_109, %sign3A_112 : i32
      %ne3A = arith.cmpi ne, %sign3A_106, %sign3A_113 : i32
      %rem3A = arith.remsi %mul3A_100, %jit3A : i32
      %ne3A_114 = arith.constant 0 : i32
      %ne3A_115 = arith.cmpi ne, %rem3A, %ne3A_114 : i32
      %and3A = arith.andi %ne3A, %ne3A_115 : i1
      %sub3A = arith.constant 1 : i32
      %sub3A_116 = arith.subi %div3A, %sub3A : i32
      %select_n3A = arith.select %and3A, %sub3A_116, %div3A : i32
      %jit3A_117 = arith.constant 1024 : i32
      %eq3A = arith.constant 0 : i32
      %eq3A_118 = arith.cmpi eq, %jit3A_117, %eq3A : i32
      %jit3A_119 = arith.constant 1 : i32
      %select_n3A_120 = arith.select %eq3A_118, %jit3A_119, %jit3A_117 : i32
      %rem3A_121 = arith.remsi %mul3A_100, %select_n3A_120 : i32
      %ne3A_122 = arith.constant 0 : i32
      %ne3A_123 = arith.cmpi ne, %rem3A_121, %ne3A_122 : i32
      %lt3A = arith.constant 0 : i32
      %lt3A_124 = arith.cmpi slt, %rem3A_121, %lt3A : i32
      %lt3A_125 = arith.constant 0 : i32
      %lt3A_126 = arith.cmpi slt, %select_n3A_120, %lt3A_125 : i32
      %ne3A_127 = arith.xori %lt3A_124, %lt3A_126 : i1
      %and3A_128 = arith.andi %ne3A_127, %ne3A_123 : i1
      %add3A_129 = arith.addi %rem3A_121, %select_n3A_120 : i32
      %select_n3A_130 = arith.select %and3A_128, %add3A_129, %rem3A_121 : i32
      %dma_start3A_131 = arith.constant 0 : i32
      %dma_start3A_132 = tpu.memref_slice %arg4[%select_n3A, %select_n3A_130, %dma_start3A_131] : memref<128x1024x64xf32, #tpu.memory_space<hbm>> -> memref<1x256x64xf32, #tpu.memory_space<hbm>>
      %dma_start3A_133 = tpu.memref_squeeze %dma_start3A_132 : memref<1x256x64xf32, #tpu.memory_space<hbm>> -> memref<256x64xf32, #tpu.memory_space<hbm>>
      %dma_start3A_134 = arith.constant 0 : i32
      %dma_start3A_135 = tpu.memref_slice %arg4[%select_n3A, %select_n3A_130, %dma_start3A_134] : memref<128x1024x64xf32, #tpu.memory_space<hbm>> -> memref<1x256x64xf32, #tpu.memory_space<hbm>>
      %dma_start3A_136 = tpu.memref_squeeze %dma_start3A_135 : memref<1x256x64xf32, #tpu.memory_space<hbm>> -> memref<256x64xf32, #tpu.memory_space<hbm>>
      tpu.enqueue_dma source(%arg8 : memref<256x64xf32, #tpu.memory_space<vmem>>) target(%dma_start3A_136 : memref<256x64xf32, #tpu.memory_space<hbm>>) target_semaphore(%arg11 : memref<!tpu.dma_semaphore, #tpu.memory_space<semaphore_mem>>)
      %add3A_137 = arith.constant 1 : i32
      %add3A_138 = arith.addi %scan3A_35, %add3A_137 : i32
      %mul3A_139 = arith.constant 2 : i32
      %mul3A_140 = arith.muli %mul3A_139, %scan3A_35 : i32
      %add3A_141 = arith.constant 1 : i32
      %add3A_142 = arith.addi %mul3A_140, %add3A_141 : i32
      %mul3A_143 = arith.constant 2 : i32
      %mul3A_144 = arith.muli %mul3A_143, %scan3A_35 : i32
      %add3A_145 = arith.constant 2 : i32
      %add3A_146 = arith.addi %mul3A_144, %add3A_145 : i32
      %lt3A_147 = arith.constant 16 : i32
      %lt3A_148 = arith.cmpi slt, %add3A_146, %lt3A_147 : i32
      %convert_element_type3A_149 = arith.extui %lt3A_148 : i1 to i32
      %cond3A_150 = arith.constant 0 : i32
      %cond3A_151 = arith.cmpi ne, %convert_element_type3A_149, %cond3A_150 : i32
      scf.if %cond3A_151 {
        %mul3A_234 = arith.constant 2 : i32
        %mul3A_235 = arith.muli %add3A_146, %mul3A_234 : i32
        %add3A_236 = arith.constant 0 : i32
        %add3A_237 = arith.addi %mul3A_235, %add3A_236 : i32
        %dma_start3A_238 = arith.constant 0 : i32
        %dma_start3A_239 = arith.constant 0 : i32
        %dma_start3A_240 = tpu.memref_slice %arg6[%dma_start3A_238, %dma_start3A_239] : memref<256x128xf32, #tpu.memory_space<vmem>> -> memref<128x128xf32, #tpu.memory_space<vmem>>
        %dma_start3A_241 = arith.constant 0 : i32
        %dma_start3A_242 = tpu.memref_slice %arg5[%add3A_237, %dma_start3A_241] : memref<32x128xi32, #tpu.memory_space<vmem>> -> memref<1x128xi32, #tpu.memory_space<vmem>>
        %dma_start3A_243 = tpu.memref_squeeze %dma_start3A_242 : memref<1x128xi32, #tpu.memory_space<vmem>> -> memref<128xi32, #tpu.memory_space<vmem>>
        %dma_start3A_244 = arith.constant 0 : i32
        %dma_start3A_245 = arith.constant 0 : i32
        %dma_start3A_246 = tpu.memref_slice %arg2[%dma_start3A_244, %dma_start3A_245] : memref<8192x128xf32, #tpu.memory_space<hbm>> -> memref<8192x128xf32, #tpu.memory_space<hbm>>
        tpu.enqueue_indirect_dma source(%dma_start3A_246 : memref<8192x128xf32, #tpu.memory_space<hbm>>) target(%dma_start3A_240 : memref<128x128xf32, #tpu.memory_space<vmem>>) offsets(%dma_start3A_243 : memref<128xi32, #tpu.memory_space<vmem>>) semaphore(%arg9 : memref<!tpu.dma_semaphore, #tpu.memory_space<semaphore_mem>>)
        %mul3A_247 = arith.constant 2 : i32
        %mul3A_248 = arith.muli %add3A_146, %mul3A_247 : i32
        %add3A_249 = arith.constant 1 : i32
        %add3A_250 = arith.addi %mul3A_248, %add3A_249 : i32
        %dma_start3A_251 = arith.constant 128 : i32
        %dma_start3A_252 = arith.constant 0 : i32
        %dma_start3A_253 = tpu.memref_slice %arg6[%dma_start3A_251, %dma_start3A_252] : memref<256x128xf32, #tpu.memory_space<vmem>> -> memref<128x128xf32, #tpu.memory_space<vmem>>
        %dma_start3A_254 = arith.constant 0 : i32
        %dma_start3A_255 = tpu.memref_slice %arg5[%add3A_250, %dma_start3A_254] : memref<32x128xi32, #tpu.memory_space<vmem>> -> memref<1x128xi32, #tpu.memory_space<vmem>>
        %dma_start3A_256 = tpu.memref_squeeze %dma_start3A_255 : memref<1x128xi32, #tpu.memory_space<vmem>> -> memref<128xi32, #tpu.memory_space<vmem>>
        %dma_start3A_257 = arith.constant 0 : i32
        %dma_start3A_258 = arith.constant 0 : i32
        %dma_start3A_259 = tpu.memref_slice %arg2[%dma_start3A_257, %dma_start3A_258] : memref<8192x128xf32, #tpu.memory_space<hbm>> -> memref<8192x128xf32, #tpu.memory_space<hbm>>
        tpu.enqueue_indirect_dma source(%dma_start3A_259 : memref<8192x128xf32, #tpu.memory_space<hbm>>) target(%dma_start3A_253 : memref<128x128xf32, #tpu.memory_space<vmem>>) offsets(%dma_start3A_256 : memref<128xi32, #tpu.memory_space<vmem>>) semaphore(%arg9 : memref<!tpu.dma_semaphore, #tpu.memory_space<semaphore_mem>>)
      } else {
      }
      %dma_wait3A_152 = arith.constant 0 : i32
      %dma_wait3A_153 = arith.constant 0 : i32
      %dma_wait3A_154 = arith.constant 0 : i32
      %dma_wait3A_155 = tpu.memref_slice %arg7[%dma_wait3A_153, %dma_wait3A_154] : memref<256x128xf32, #tpu.memory_space<vmem>> -> memref<128x128xf32, #tpu.memory_space<vmem>>
      %dma_wait3A_156 = arith.constant 0 : i32
      %dma_wait3A_157 = tpu.memref_slice %arg5[%dma_wait3A_152, %dma_wait3A_156] : memref<32x128xi32, #tpu.memory_space<vmem>> -> memref<1x128xi32, #tpu.memory_space<vmem>>
      %dma_wait3A_158 = tpu.memref_squeeze %dma_wait3A_157 : memref<1x128xi32, #tpu.memory_space<vmem>> -> memref<128xi32, #tpu.memory_space<vmem>>
      %dma_wait3A_159 = arith.constant 0 : i32
      %dma_wait3A_160 = arith.constant 0 : i32
      %dma_wait3A_161 = tpu.memref_slice %arg2[%dma_wait3A_159, %dma_wait3A_160] : memref<8192x128xf32, #tpu.memory_space<hbm>> -> memref<8192x128xf32, #tpu.memory_space<hbm>>
      tpu.wait_indirect_dma semaphore(%arg10 : memref<!tpu.dma_semaphore, #tpu.memory_space<semaphore_mem>>) src(%dma_wait3A_161 : memref<8192x128xf32, #tpu.memory_space<hbm>>) dst(%dma_wait3A_155 : memref<128x128xf32, #tpu.memory_space<vmem>>)
      %dma_wait3A_162 = arith.constant 0 : i32
      %dma_wait3A_163 = arith.constant 128 : i32
      %dma_wait3A_164 = arith.constant 0 : i32
      %dma_wait3A_165 = tpu.memref_slice %arg7[%dma_wait3A_163, %dma_wait3A_164] : memref<256x128xf32, #tpu.memory_space<vmem>> -> memref<128x128xf32, #tpu.memory_space<vmem>>
      %dma_wait3A_166 = arith.constant 0 : i32
      %dma_wait3A_167 = tpu.memref_slice %arg5[%dma_wait3A_162, %dma_wait3A_166] : memref<32x128xi32, #tpu.memory_space<vmem>> -> memref<1x128xi32, #tpu.memory_space<vmem>>
      %dma_wait3A_168 = tpu.memref_squeeze %dma_wait3A_167 : memref<1x128xi32, #tpu.memory_space<vmem>> -> memref<128xi32, #tpu.memory_space<vmem>>
      %dma_wait3A_169 = arith.constant 0 : i32
      %dma_wait3A_170 = arith.constant 0 : i32
      %dma_wait3A_171 = tpu.memref_slice %arg2[%dma_wait3A_169, %dma_wait3A_170] : memref<8192x128xf32, #tpu.memory_space<hbm>> -> memref<8192x128xf32, #tpu.memory_space<hbm>>
      tpu.wait_indirect_dma semaphore(%arg10 : memref<!tpu.dma_semaphore, #tpu.memory_space<semaphore_mem>>) src(%dma_wait3A_171 : memref<8192x128xf32, #tpu.memory_space<hbm>>) dst(%dma_wait3A_165 : memref<128x128xf32, #tpu.memory_space<vmem>>)
      %gt3A_172 = arith.constant 0 : i32
      %gt3A_173 = arith.cmpi sgt, %add3A_138, %gt3A_172 : i32
      %convert_element_type3A_174 = arith.extui %gt3A_173 : i1 to i32
      %cond3A_175 = arith.constant 0 : i32
      %cond3A_176 = arith.cmpi ne, %convert_element_type3A_174, %cond3A_175 : i32
      scf.if %cond3A_176 {
        %dma_wait3A_234 = arith.constant 0 : i32
        %dma_wait3A_235 = arith.constant 0 : i32
        %dma_wait3A_236 = arith.constant 0 : i32
        %dma_wait3A_237 = tpu.memref_slice %arg4[%dma_wait3A_234, %dma_wait3A_235, %dma_wait3A_236] : memref<128x1024x64xf32, #tpu.memory_space<hbm>> -> memref<1x256x64xf32, #tpu.memory_space<hbm>>
        %dma_wait3A_238 = tpu.memref_squeeze %dma_wait3A_237 : memref<1x256x64xf32, #tpu.memory_space<hbm>> -> memref<256x64xf32, #tpu.memory_space<hbm>>
        %dma_wait3A_239 = arith.constant 0 : i32
        %dma_wait3A_240 = arith.constant 0 : i32
        %dma_wait3A_241 = tpu.memref_slice %arg4[%dma_wait3A_234, %dma_wait3A_239, %dma_wait3A_240] : memref<128x1024x64xf32, #tpu.memory_space<hbm>> -> memref<1x256x64xf32, #tpu.memory_space<hbm>>
        %dma_wait3A_242 = tpu.memref_squeeze %dma_wait3A_241 : memref<1x256x64xf32, #tpu.memory_space<hbm>> -> memref<256x64xf32, #tpu.memory_space<hbm>>
        tpu.wait_dma2 semaphore(%arg11 : memref<!tpu.dma_semaphore, #tpu.memory_space<semaphore_mem>>) src(%arg8 : memref<256x64xf32, #tpu.memory_space<vmem>>) dst(%dma_wait3A_242 : memref<256x64xf32, #tpu.memory_space<hbm>>)
      } else {
      }
      %scan3A_177 = arith.constant 0 : i32
      %scan3A_178 = arith.constant 0 : i32
      %scan3A_179 = arith.constant 64 : i32
      %scan3A_180 = arith.addi %scan3A_178, %scan3A_179 : i32
      %scan3A_181 = arith.constant 1 : i32
      scf.for %scan3A_234 = %scan3A_178 to %scan3A_180 step %scan3A_181  : i32 {
        %mul3A_235 = arith.constant 4 : i32
        %mul3A_236 = arith.muli %scan3A_234, %mul3A_235 : i32
        %add3A_237 = arith.constant 0 : i32
        %add3A_238 = arith.addi %mul3A_236, %add3A_237 : i32
        %get3A = arith.index_cast %add3A_238 : i32 to index
        %get3A_239 = arith.constant 0 : index
        %get3A_240 = tpu.vector_load %arg7[%get3A, %get3A_239] {strides = array<i32>} : memref<256x128xf32, #tpu.memory_space<vmem>>, vector<16xf32>,
        %mul3A_241 = arith.constant 4 : i32
        %mul3A_242 = arith.muli %scan3A_234, %mul3A_241 : i32
        %add3A_243 = arith.constant 0 : i32
        %add3A_244 = arith.addi %mul3A_242, %add3A_243 : i32
        %swap3A = arith.index_cast %add3A_244 : i32 to index
        %swap3A_245 = arith.constant 0 : index
        %swap3A_246 = tpu.vector_load %arg8[%swap3A, %swap3A_245] {strides = array<i32>} : memref<256x64xf32, #tpu.memory_space<vmem>>, vector<16xf32>,
        tpu.vector_store %arg8[%swap3A, %swap3A_245], %get3A_240 {strides = array<i32>} : memref<256x64xf32, #tpu.memory_space<vmem>>, vector<16xf32>,
        %mul3A_247 = arith.constant 4 : i32
        %mul3A_248 = arith.muli %scan3A_234, %mul3A_247 : i32
        %add3A_249 = arith.constant 0 : i32
        %add3A_250 = arith.addi %mul3A_248, %add3A_249 : i32
        %get3A_251 = arith.index_cast %add3A_250 : i32 to index
        %get3A_252 = arith.constant 16 : index
        %get3A_253 = tpu.vector_load %arg7[%get3A_251, %get3A_252] {strides = array<i32>} : memref<256x128xf32, #tpu.memory_space<vmem>>, vector<16xf32>,
        %mul3A_254 = arith.constant 4 : i32
        %mul3A_255 = arith.muli %scan3A_234, %mul3A_254 : i32
        %add3A_256 = arith.constant 0 : i32
        %add3A_257 = arith.addi %mul3A_255, %add3A_256 : i32
        %swap3A_258 = arith.index_cast %add3A_257 : i32 to index
        %swap3A_259 = arith.constant 16 : index
        %swap3A_260 = tpu.vector_load %arg8[%swap3A_258, %swap3A_259] {strides = array<i32>} : memref<256x64xf32, #tpu.memory_space<vmem>>, vector<16xf32>,
        tpu.vector_store %arg8[%swap3A_258, %swap3A_259], %get3A_253 {strides = array<i32>} : memref<256x64xf32, #tpu.memory_space<vmem>>, vector<16xf32>,
        %mul3A_261 = arith.constant 4 : i32
        %mul3A_262 = arith.muli %scan3A_234, %mul3A_261 : i32
        %add3A_263 = arith.constant 0 : i32
        %add3A_264 = arith.addi %mul3A_262, %add3A_263 : i32
        %get3A_265 = arith.index_cast %add3A_264 : i32 to index
        %get3A_266 = arith.constant 32 : index
        %get3A_267 = tpu.vector_load %arg7[%get3A_265, %get3A_266] {strides = array<i32>} : memref<256x128xf32, #tpu.memory_space<vmem>>, vector<16xf32>,
        %mul3A_268 = arith.constant 4 : i32
        %mul3A_269 = arith.muli %scan3A_234, %mul3A_268 : i32
        %add3A_270 = arith.constant 0 : i32
        %add3A_271 = arith.addi %mul3A_269, %add3A_270 : i32
        %swap3A_272 = arith.index_cast %add3A_271 : i32 to index
        %swap3A_273 = arith.constant 32 : index
        %swap3A_274 = tpu.vector_load %arg8[%swap3A_272, %swap3A_273] {strides = array<i32>} : memref<256x64xf32, #tpu.memory_space<vmem>>, vector<16xf32>,
        tpu.vector_store %arg8[%swap3A_272, %swap3A_273], %get3A_267 {strides = array<i32>} : memref<256x64xf32, #tpu.memory_space<vmem>>, vector<16xf32>,
        %mul3A_275 = arith.constant 4 : i32
        %mul3A_276 = arith.muli %scan3A_234, %mul3A_275 : i32
        %add3A_277 = arith.constant 0 : i32
        %add3A_278 = arith.addi %mul3A_276, %add3A_277 : i32
        %get3A_279 = arith.index_cast %add3A_278 : i32 to index
        %get3A_280 = arith.constant 48 : index
        %get3A_281 = tpu.vector_load %arg7[%get3A_279, %get3A_280] {strides = array<i32>} : memref<256x128xf32, #tpu.memory_space<vmem>>, vector<16xf32>,
        %mul3A_282 = arith.constant 4 : i32
        %mul3A_283 = arith.muli %scan3A_234, %mul3A_282 : i32
        %add3A_284 = arith.constant 0 : i32
        %add3A_285 = arith.addi %mul3A_283, %add3A_284 : i32
        %swap3A_286 = arith.index_cast %add3A_285 : i32 to index
        %swap3A_287 = arith.constant 48 : index
        %swap3A_288 = tpu.vector_load %arg8[%swap3A_286, %swap3A_287] {strides = array<i32>} : memref<256x64xf32, #tpu.memory_space<vmem>>, vector<16xf32>,
        tpu.vector_store %arg8[%swap3A_286, %swap3A_287], %get3A_281 {strides = array<i32>} : memref<256x64xf32, #tpu.memory_space<vmem>>, vector<16xf32>,
        %mul3A_289 = arith.constant 4 : i32
        %mul3A_290 = arith.muli %scan3A_234, %mul3A_289 : i32
        %add3A_291 = arith.constant 1 : i32
        %add3A_292 = arith.addi %mul3A_290, %add3A_291 : i32
        %get3A_293 = arith.index_cast %add3A_292 : i32 to index
        %get3A_294 = arith.constant 0 : index
        %get3A_295 = tpu.vector_load %arg7[%get3A_293, %get3A_294] {strides = array<i32>} : memref<256x128xf32, #tpu.memory_space<vmem>>, vector<16xf32>,
        %mul3A_296 = arith.constant 4 : i32
        %mul3A_297 = arith.muli %scan3A_234, %mul3A_296 : i32
        %add3A_298 = arith.constant 1 : i32
        %add3A_299 = arith.addi %mul3A_297, %add3A_298 : i32
        %swap3A_300 = arith.index_cast %add3A_299 : i32 to index
        %swap3A_301 = arith.constant 0 : index
        %swap3A_302 = tpu.vector_load %arg8[%swap3A_300, %swap3A_301] {strides = array<i32>} : memref<256x64xf32, #tpu.memory_space<vmem>>, vector<16xf32>,
        tpu.vector_store %arg8[%swap3A_300, %swap3A_301], %get3A_295 {strides = array<i32>} : memref<256x64xf32, #tpu.memory_space<vmem>>, vector<16xf32>,
        %mul3A_303 = arith.constant 4 : i32
        %mul3A_304 = arith.muli %scan3A_234, %mul3A_303 : i32
        %add3A_305 = arith.constant 1 : i32
        %add3A_306 = arith.addi %mul3A_304, %add3A_305 : i32
        %get3A_307 = arith.index_cast %add3A_306 : i32 to index
        %get3A_308 = arith.constant 16 : index
        %get3A_309 = tpu.vector_load %arg7[%get3A_307, %get3A_308] {strides = array<i32>} : memref<256x128xf32, #tpu.memory_space<vmem>>, vector<16xf32>,
        %mul3A_310 = arith.constant 4 : i32
        %mul3A_311 = arith.muli %scan3A_234, %mul3A_310 : i32
        %add3A_312 = arith.constant 1 : i32
        %add3A_313 = arith.addi %mul3A_311, %add3A_312 : i32
        %swap3A_314 = arith.index_cast %add3A_313 : i32 to index
        %swap3A_315 = arith.constant 16 : index
        %swap3A_316 = tpu.vector_load %arg8[%swap3A_314, %swap3A_315] {strides = array<i32>} : memref<256x64xf32, #tpu.memory_space<vmem>>, vector<16xf32>,
        tpu.vector_store %arg8[%swap3A_314, %swap3A_315], %get3A_309 {strides = array<i32>} : memref<256x64xf32, #tpu.memory_space<vmem>>, vector<16xf32>,
        %mul3A_317 = arith.constant 4 : i32
        %mul3A_318 = arith.muli %scan3A_234, %mul3A_317 : i32
        %add3A_319 = arith.constant 1 : i32
        %add3A_320 = arith.addi %mul3A_318, %add3A_319 : i32
        %get3A_321 = arith.index_cast %add3A_320 : i32 to index
        %get3A_322 = arith.constant 32 : index
        %get3A_323 = tpu.vector_load %arg7[%get3A_321, %get3A_322] {strides = array<i32>} : memref<256x128xf32, #tpu.memory_space<vmem>>, vector<16xf32>,
        %mul3A_324 = arith.constant 4 : i32
        %mul3A_325 = arith.muli %scan3A_234, %mul3A_324 : i32
        %add3A_326 = arith.constant 1 : i32
        %add3A_327 = arith.addi %mul3A_325, %add3A_326 : i32
        %swap3A_328 = arith.index_cast %add3A_327 : i32 to index
        %swap3A_329 = arith.constant 32 : index
        %swap3A_330 = tpu.vector_load %arg8[%swap3A_328, %swap3A_329] {strides = array<i32>} : memref<256x64xf32, #tpu.memory_space<vmem>>, vector<16xf32>,
        tpu.vector_store %arg8[%swap3A_328, %swap3A_329], %get3A_323 {strides = array<i32>} : memref<256x64xf32, #tpu.memory_space<vmem>>, vector<16xf32>,
        %mul3A_331 = arith.constant 4 : i32
        %mul3A_332 = arith.muli %scan3A_234, %mul3A_331 : i32
        %add3A_333 = arith.constant 1 : i32
        %add3A_334 = arith.addi %mul3A_332, %add3A_333 : i32
        %get3A_335 = arith.index_cast %add3A_334 : i32 to index
        %get3A_336 = arith.constant 48 : index
        %get3A_337 = tpu.vector_load %arg7[%get3A_335, %get3A_336] {strides = array<i32>} : memref<256x128xf32, #tpu.memory_space<vmem>>, vector<16xf32>,
        %mul3A_338 = arith.constant 4 : i32
        %mul3A_339 = arith.muli %scan3A_234, %mul3A_338 : i32
        %add3A_340 = arith.constant 1 : i32
        %add3A_341 = arith.addi %mul3A_339, %add3A_340 : i32
        %swap3A_342 = arith.index_cast %add3A_341 : i32 to index
        %swap3A_343 = arith.constant 48 : index
        %swap3A_344 = tpu.vector_load %arg8[%swap3A_342, %swap3A_343] {strides = array<i32>} : memref<256x64xf32, #tpu.memory_space<vmem>>, vector<16xf32>,
        tpu.vector_store %arg8[%swap3A_342, %swap3A_343], %get3A_337 {strides = array<i32>} : memref<256x64xf32, #tpu.memory_space<vmem>>, vector<16xf32>,
        %mul3A_345 = arith.constant 4 : i32
        %mul3A_346 = arith.muli %scan3A_234, %mul3A_345 : i32
        %add3A_347 = arith.constant 2 : i32
        %add3A_348 = arith.addi %mul3A_346, %add3A_347 : i32
        %get3A_349 = arith.index_cast %add3A_348 : i32 to index
        %get3A_350 = arith.constant 0 : index
        %get3A_351 = tpu.vector_load %arg7[%get3A_349, %get3A_350] {strides = array<i32>} : memref<256x128xf32, #tpu.memory_space<vmem>>, vector<16xf32>,
        %mul3A_352 = arith.constant 4 : i32
        %mul3A_353 = arith.muli %scan3A_234, %mul3A_352 : i32
        %add3A_354 = arith.constant 2 : i32
        %add3A_355 = arith.addi %mul3A_353, %add3A_354 : i32
        %swap3A_356 = arith.index_cast %add3A_355 : i32 to index
        %swap3A_357 = arith.constant 0 : index
        %swap3A_358 = tpu.vector_load %arg8[%swap3A_356, %swap3A_357] {strides = array<i32>} : memref<256x64xf32, #tpu.memory_space<vmem>>, vector<16xf32>,
        tpu.vector_store %arg8[%swap3A_356, %swap3A_357], %get3A_351 {strides = array<i32>} : memref<256x64xf32, #tpu.memory_space<vmem>>, vector<16xf32>,
        %mul3A_359 = arith.constant 4 : i32
        %mul3A_360 = arith.muli %scan3A_234, %mul3A_359 : i32
        %add3A_361 = arith.constant 2 : i32
        %add3A_362 = arith.addi %mul3A_360, %add3A_361 : i32
        %get3A_363 = arith.index_cast %add3A_362 : i32 to index
        %get3A_364 = arith.constant 16 : index
        %get3A_365 = tpu.vector_load %arg7[%get3A_363, %get3A_364] {strides = array<i32>} : memref<256x128xf32, #tpu.memory_space<vmem>>, vector<16xf32>,
        %mul3A_366 = arith.constant 4 : i32
        %mul3A_367 = arith.muli %scan3A_234, %mul3A_366 : i32
        %add3A_368 = arith.constant 2 : i32
        %add3A_369 = arith.addi %mul3A_367, %add3A_368 : i32
        %swap3A_370 = arith.index_cast %add3A_369 : i32 to index
        %swap3A_371 = arith.constant 16 : index
        %swap3A_372 = tpu.vector_load %arg8[%swap3A_370, %swap3A_371] {strides = array<i32>} : memref<256x64xf32, #tpu.memory_space<vmem>>, vector<16xf32>,
        tpu.vector_store %arg8[%swap3A_370, %swap3A_371], %get3A_365 {strides = array<i32>} : memref<256x64xf32, #tpu.memory_space<vmem>>, vector<16xf32>,
        %mul3A_373 = arith.constant 4 : i32
        %mul3A_374 = arith.muli %scan3A_234, %mul3A_373 : i32
        %add3A_375 = arith.constant 2 : i32
        %add3A_376 = arith.addi %mul3A_374, %add3A_375 : i32
        %get3A_377 = arith.index_cast %add3A_376 : i32 to index
        %get3A_378 = arith.constant 32 : index
        %get3A_379 = tpu.vector_load %arg7[%get3A_377, %get3A_378] {strides = array<i32>} : memref<256x128xf32, #tpu.memory_space<vmem>>, vector<16xf32>,
        %mul3A_380 = arith.constant 4 : i32
        %mul3A_381 = arith.muli %scan3A_234, %mul3A_380 : i32
        %add3A_382 = arith.constant 2 : i32
        %add3A_383 = arith.addi %mul3A_381, %add3A_382 : i32
        %swap3A_384 = arith.index_cast %add3A_383 : i32 to index
        %swap3A_385 = arith.constant 32 : index
        %swap3A_386 = tpu.vector_load %arg8[%swap3A_384, %swap3A_385] {strides = array<i32>} : memref<256x64xf32, #tpu.memory_space<vmem>>, vector<16xf32>,
        tpu.vector_store %arg8[%swap3A_384, %swap3A_385], %get3A_379 {strides = array<i32>} : memref<256x64xf32, #tpu.memory_space<vmem>>, vector<16xf32>,
        %mul3A_387 = arith.constant 4 : i32
        %mul3A_388 = arith.muli %scan3A_234, %mul3A_387 : i32
        %add3A_389 = arith.constant 2 : i32
        %add3A_390 = arith.addi %mul3A_388, %add3A_389 : i32
        %get3A_391 = arith.index_cast %add3A_390 : i32 to index
        %get3A_392 = arith.constant 48 : index
        %get3A_393 = tpu.vector_load %arg7[%get3A_391, %get3A_392] {strides = array<i32>} : memref<256x128xf32, #tpu.memory_space<vmem>>, vector<16xf32>,
        %mul3A_394 = arith.constant 4 : i32
        %mul3A_395 = arith.muli %scan3A_234, %mul3A_394 : i32
        %add3A_396 = arith.constant 2 : i32
        %add3A_397 = arith.addi %mul3A_395, %add3A_396 : i32
        %swap3A_398 = arith.index_cast %add3A_397 : i32 to index
        %swap3A_399 = arith.constant 48 : index
        %swap3A_400 = tpu.vector_load %arg8[%swap3A_398, %swap3A_399] {strides = array<i32>} : memref<256x64xf32, #tpu.memory_space<vmem>>, vector<16xf32>,
        tpu.vector_store %arg8[%swap3A_398, %swap3A_399], %get3A_393 {strides = array<i32>} : memref<256x64xf32, #tpu.memory_space<vmem>>, vector<16xf32>,
        %mul3A_401 = arith.constant 4 : i32
        %mul3A_402 = arith.muli %scan3A_234, %mul3A_401 : i32
        %add3A_403 = arith.constant 3 : i32
        %add3A_404 = arith.addi %mul3A_402, %add3A_403 : i32
        %get3A_405 = arith.index_cast %add3A_404 : i32 to index
        %get3A_406 = arith.constant 0 : index
        %get3A_407 = tpu.vector_load %arg7[%get3A_405, %get3A_406] {strides = array<i32>} : memref<256x128xf32, #tpu.memory_space<vmem>>, vector<16xf32>,
        %mul3A_408 = arith.constant 4 : i32
        %mul3A_409 = arith.muli %scan3A_234, %mul3A_408 : i32
        %add3A_410 = arith.constant 3 : i32
        %add3A_411 = arith.addi %mul3A_409, %add3A_410 : i32
        %swap3A_412 = arith.index_cast %add3A_411 : i32 to index
        %swap3A_413 = arith.constant 0 : index
        %swap3A_414 = tpu.vector_load %arg8[%swap3A_412, %swap3A_413] {strides = array<i32>} : memref<256x64xf32, #tpu.memory_space<vmem>>, vector<16xf32>,
        tpu.vector_store %arg8[%swap3A_412, %swap3A_413], %get3A_407 {strides = array<i32>} : memref<256x64xf32, #tpu.memory_space<vmem>>, vector<16xf32>,
        %mul3A_415 = arith.constant 4 : i32
        %mul3A_416 = arith.muli %scan3A_234, %mul3A_415 : i32
        %add3A_417 = arith.constant 3 : i32
        %add3A_418 = arith.addi %mul3A_416, %add3A_417 : i32
        %get3A_419 = arith.index_cast %add3A_418 : i32 to index
        %get3A_420 = arith.constant 16 : index
        %get3A_421 = tpu.vector_load %arg7[%get3A_419, %get3A_420] {strides = array<i32>} : memref<256x128xf32, #tpu.memory_space<vmem>>, vector<16xf32>,
        %mul3A_422 = arith.constant 4 : i32
        %mul3A_423 = arith.muli %scan3A_234, %mul3A_422 : i32
        %add3A_424 = arith.constant 3 : i32
        %add3A_425 = arith.addi %mul3A_423, %add3A_424 : i32
        %swap3A_426 = arith.index_cast %add3A_425 : i32 to index
        %swap3A_427 = arith.constant 16 : index
        %swap3A_428 = tpu.vector_load %arg8[%swap3A_426, %swap3A_427] {strides = array<i32>} : memref<256x64xf32, #tpu.memory_space<vmem>>, vector<16xf32>,
        tpu.vector_store %arg8[%swap3A_426, %swap3A_427], %get3A_421 {strides = array<i32>} : memref<256x64xf32, #tpu.memory_space<vmem>>, vector<16xf32>,
        %mul3A_429 = arith.constant 4 : i32
        %mul3A_430 = arith.muli %scan3A_234, %mul3A_429 : i32
        %add3A_431 = arith.constant 3 : i32
        %add3A_432 = arith.addi %mul3A_430, %add3A_431 : i32
        %get3A_433 = arith.index_cast %add3A_432 : i32 to index
        %get3A_434 = arith.constant 32 : index
        %get3A_435 = tpu.vector_load %arg7[%get3A_433, %get3A_434] {strides = array<i32>} : memref<256x128xf32, #tpu.memory_space<vmem>>, vector<16xf32>,
        %mul3A_436 = arith.constant 4 : i32
        %mul3A_437 = arith.muli %scan3A_234, %mul3A_436 : i32
        %add3A_438 = arith.constant 3 : i32
        %add3A_439 = arith.addi %mul3A_437, %add3A_438 : i32
        %swap3A_440 = arith.index_cast %add3A_439 : i32 to index
        %swap3A_441 = arith.constant 32 : index
        %swap3A_442 = tpu.vector_load %arg8[%swap3A_440, %swap3A_441] {strides = array<i32>} : memref<256x64xf32, #tpu.memory_space<vmem>>, vector<16xf32>,
        tpu.vector_store %arg8[%swap3A_440, %swap3A_441], %get3A_435 {strides = array<i32>} : memref<256x64xf32, #tpu.memory_space<vmem>>, vector<16xf32>,
        %mul3A_443 = arith.constant 4 : i32
        %mul3A_444 = arith.muli %scan3A_234, %mul3A_443 : i32
        %add3A_445 = arith.constant 3 : i32
        %add3A_446 = arith.addi %mul3A_444, %add3A_445 : i32
        %get3A_447 = arith.index_cast %add3A_446 : i32 to index
        %get3A_448 = arith.constant 48 : index
        %get3A_449 = tpu.vector_load %arg7[%get3A_447, %get3A_448] {strides = array<i32>} : memref<256x128xf32, #tpu.memory_space<vmem>>, vector<16xf32>,
        %mul3A_450 = arith.constant 4 : i32
        %mul3A_451 = arith.muli %scan3A_234, %mul3A_450 : i32
        %add3A_452 = arith.constant 3 : i32
        %add3A_453 = arith.addi %mul3A_451, %add3A_452 : i32
        %swap3A_454 = arith.index_cast %add3A_453 : i32 to index
        %swap3A_455 = arith.constant 48 : index
        %swap3A_456 = tpu.vector_load %arg8[%swap3A_454, %swap3A_455] {strides = array<i32>} : memref<256x64xf32, #tpu.memory_space<vmem>>, vector<16xf32>,
        tpu.vector_store %arg8[%swap3A_454, %swap3A_455], %get3A_449 {strides = array<i32>} : memref<256x64xf32, #tpu.memory_space<vmem>>, vector<16xf32>,
      }
      %scan3A_182 = arith.constant 64 : i32
      %mul3A_183 = arith.constant 2 : i32
      %mul3A_184 = arith.muli %add3A_142, %mul3A_183 : i32
      %add3A_185 = arith.addi %mul3A_2, %mul3A_184 : i32
      %mul3A_186 = arith.constant 128 : i32
      %mul3A_187 = arith.muli %add3A_185, %mul3A_186 : i32
      %jit3A_188 = arith.constant 1024 : i32
      %div3A_189 = arith.divsi %mul3A_187, %jit3A_188 : i32
      %sign3A_190 = arith.constant 0 : i32
      %sign3A_191 = arith.cmpi sgt, %mul3A_187, %sign3A_190 : i32
      %sign3A_192 = arith.extui %sign3A_191 : i1 to i32
      %sign3A_193 = arith.constant 0 : i32
      %sign3A_194 = arith.cmpi slt, %mul3A_187, %sign3A_193 : i32
      %sign3A_195 = arith.extui %sign3A_194 : i1 to i32
      %sign3A_196 = arith.subi %sign3A_192, %sign3A_195 : i32
      %sign3A_197 = arith.constant 0 : i32
      %sign3A_198 = arith.cmpi sgt, %jit3A_188, %sign3A_197 : i32
      %sign3A_199 = arith.extui %sign3A_198 : i1 to i32
      %sign3A_200 = arith.constant 0 : i32
      %sign3A_201 = arith.cmpi slt, %jit3A_188, %sign3A_200 : i32
      %sign3A_202 = arith.extui %sign3A_201 : i1 to i32
      %sign3A_203 = arith.subi %sign3A_199, %sign3A_202 : i32
      %ne3A_204 = arith.cmpi ne, %sign3A_196, %sign3A_203 : i32
      %rem3A_205 = arith.remsi %mul3A_187, %jit3A_188 : i32
      %ne3A_206 = arith.constant 0 : i32
      %ne3A_207 = arith.cmpi ne, %rem3A_205, %ne3A_206 : i32
      %and3A_208 = arith.andi %ne3A_204, %ne3A_207 : i1
      %sub3A_209 = arith.constant 1 : i32
      %sub3A_210 = arith.subi %div3A_189, %sub3A_209 : i32
      %select_n3A_211 = arith.select %and3A_208, %sub3A_210, %div3A_189 : i32
      %jit3A_212 = arith.constant 1024 : i32
      %eq3A_213 = arith.constant 0 : i32
      %eq3A_214 = arith.cmpi eq, %jit3A_212, %eq3A_213 : i32
      %jit3A_215 = arith.constant 1 : i32
      %select_n3A_216 = arith.select %eq3A_214, %jit3A_215, %jit3A_212 : i32
      %rem3A_217 = arith.remsi %mul3A_187, %select_n3A_216 : i32
      %ne3A_218 = arith.constant 0 : i32
      %ne3A_219 = arith.cmpi ne, %rem3A_217, %ne3A_218 : i32
      %lt3A_220 = arith.constant 0 : i32
      %lt3A_221 = arith.cmpi slt, %rem3A_217, %lt3A_220 : i32
      %lt3A_222 = arith.constant 0 : i32
      %lt3A_223 = arith.cmpi slt, %select_n3A_216, %lt3A_222 : i32
      %ne3A_224 = arith.xori %lt3A_221, %lt3A_223 : i1
      %and3A_225 = arith.andi %ne3A_224, %ne3A_219 : i1
      %add3A_226 = arith.addi %rem3A_217, %select_n3A_216 : i32
      %select_n3A_227 = arith.select %and3A_225, %add3A_226, %rem3A_217 : i32
      %dma_start3A_228 = arith.constant 0 : i32
      %dma_start3A_229 = tpu.memref_slice %arg4[%select_n3A_211, %select_n3A_227, %dma_start3A_228] : memref<128x1024x64xf32, #tpu.memory_space<hbm>> -> memref<1x256x64xf32, #tpu.memory_space<hbm>>
      %dma_start3A_230 = tpu.memref_squeeze %dma_start3A_229 : memref<1x256x64xf32, #tpu.memory_space<hbm>> -> memref<256x64xf32, #tpu.memory_space<hbm>>
      %dma_start3A_231 = arith.constant 0 : i32
      %dma_start3A_232 = tpu.memref_slice %arg4[%select_n3A_211, %select_n3A_227, %dma_start3A_231] : memref<128x1024x64xf32, #tpu.memory_space<hbm>> -> memref<1x256x64xf32, #tpu.memory_space<hbm>>
      %dma_start3A_233 = tpu.memref_squeeze %dma_start3A_232 : memref<1x256x64xf32, #tpu.memory_space<hbm>> -> memref<256x64xf32, #tpu.memory_space<hbm>>
      tpu.enqueue_dma source(%arg8 : memref<256x64xf32, #tpu.memory_space<vmem>>) target(%dma_start3A_233 : memref<256x64xf32, #tpu.memory_space<hbm>>) target_semaphore(%arg11 : memref<!tpu.dma_semaphore, #tpu.memory_space<semaphore_mem>>)
    }
    %scan3A_26 = arith.constant 8 : i32
    %dma_wait3A = arith.constant 0 : i32
    %dma_wait3A_27 = arith.constant 0 : i32
    %dma_wait3A_28 = arith.constant 0 : i32
    %dma_wait3A_29 = tpu.memref_slice %arg4[%dma_wait3A, %dma_wait3A_27, %dma_wait3A_28] : memref<128x1024x64xf32, #tpu.memory_space<hbm>> -> memref<1x256x64xf32, #tpu.memory_space<hbm>>
    %dma_wait3A_30 = tpu.memref_squeeze %dma_wait3A_29 : memref<1x256x64xf32, #tpu.memory_space<hbm>> -> memref<256x64xf32, #tpu.memory_space<hbm>>
    %dma_wait3A_31 = arith.constant 0 : i32
    %dma_wait3A_32 = arith.constant 0 : i32
    %dma_wait3A_33 = tpu.memref_slice %arg4[%dma_wait3A, %dma_wait3A_31, %dma_wait3A_32] : memref<128x1024x64xf32, #tpu.memory_space<hbm>> -> memref<1x256x64xf32, #tpu.memory_space<hbm>>
    %dma_wait3A_34 = tpu.memref_squeeze %dma_wait3A_33 : memref<1x256x64xf32, #tpu.memory_space<hbm>> -> memref<256x64xf32, #tpu.memory_space<hbm>>
    tpu.wait_dma2 semaphore(%arg11 : memref<!tpu.dma_semaphore, #tpu.memory_space<semaphore_mem>>) src(%arg8 : memref<256x64xf32, #tpu.memory_space<vmem>>) dst(%dma_wait3A_34 : memref<256x64xf32, #tpu.memory_space<hbm>>)
    return
  }
}

</mosaic_0001>

<sc_bundles>
// kernel: _gather.3.cloned.1.call-start
scs
__scs_entry_jumppad:
0x0: {  	(pc) =	sbr.rel $0x88, $3  }
0x1: {  	(tag) =	ssettag $0x0;
	lr =	simm.s32 $0x1  }
0x2: {  	[smem:$0x3F9F] =	sst lr;
	_ =	strace $0xD0000000  }
0x3: {  	_ = 	snop  }
0x4: {  	_ = 	snop  }
0x5: {  	_ = 	snop  }
0x6: {  	_ = 	snop  }
0x7: {  	_ = 	snop  }
__scs_overlays_trampoline_lowered:
0x8: {  	[smem:$0x3FAE] =	sst s0  }
0x9: {  	[smem:$0x3FAF] =	sst s1  }
0xa: {  	[smem:$0x3FB0] =	sst s2  }
0xb: {  	[smem:$0x3FB1] =	sst s3  }
0xc: {  	[smem:$0x3FB2] =	sst s4  }
0xd: {  	[smem:$0x3FB3] =	sst s5  }
0xe: {  	[smem:$0x3FB4] =	sst s6  }
0xf: {  	[smem:$0x3FB5] =	sst s7  }
0x10: {  	[smem:$0x3FB6] =	sst s8  }
0x11: {  	[smem:$0x3FB7] =	sst s9;
	s0 =	simm.s32 @!p0 $0x0  }
0x12: {  	s1 =	sld [smem:$0x3F9D];
	s0 =	simm.s32 @p0 $0x1  }
0x13: {  	[smem:$0x3FB8] =	sst s0;
	s0 =	simm.s32 @!p1 $0x0  }
0x14: {  	s2 =	sld [smem:$0x3F9C];
	s0 =	simm.s32 @p1 $0x1  }
0x15: {  	[smem:$0x3FB9] =	sst s0;
	s0 =	simm.s32 @!p2 $0x0  }
0x16: {  	s3 =	sld [smem:$0x3FDB];
	s0 =	simm.s32 @p2 $0x1  }
0x17: {  	s4 =	simm.s32 $0x1BF5;
	[smem:$0x3FBB] =	sst s0  }
0x18: {  	s0 =	sld [smem:$0x3F9E];
	_ =	swait.ge [sflag:s4], $0x0  }
0x19: {  	s7 =	sld [smem:$0x3F9F]  }
0x1a: {  	s8 =	sadd.s32 $0xFFFFE003, lr  }
0x1b: {  	s9 =	sadd.s32 $0xFFFFFEF7, lr;
	s5 =	simm.s32 $0xFFFFFFFF;
	p2 =	slt.u32 s8, $0xFFFFF086  }
0x1c: {  	p1 =	slt.u32 s9, $0xF7A;
	s5 =	simm.s32 @!p2 $0x0  }
0x1d: {  	s5 =	simm.s32 @p1 $0x1;
	p0 =	seq.s32 s7, s2  }
0x1e: {  	s7 =	smul.u32 @!p0 $0xF7A, s2;
	p2 =	seq.s32 @!p0 s5, $0x0  }
0x1f: {  	s9 =	smul.u32 $0xF7A, s1;
	s8 =	simm.s32 @!p0 $0x1BF5;
	p2 =	por !p2, p0  }
0x20: {  	[sflag:s8] =	ssyncset.s32 @!p0 $0xFFFFF086;
	s6 =	sadd.s32 @!p0 s3, s7;
	s7 =	simm.s32 @!p0 $0x108  }
0x21: {  	s3 =	sadd.s32 s3, s9;
	s6 =	sadd.s32 @!p0 $0x88, s6;
	s7 =	simm.s32 @p2 $0x1082  }
0x22: {  	[simem:s7], [sflag:s8] =	dma.local @!p0 [hbm:s6], $0xF7A  }
0x23: {  	s9 =	sor.u32 $0xD0000000, s2;
	s6 =	simm.s32 $0x108;
	_ =	swait.ge @!p0 [sflag:s8], $0x0  }
0x24: {  	s3 =	sadd.s32 $0x88, s3;
	s6 =	simm.s32 @!p1 $0x1082;
	[sflag:s4] =	ssyncset.s32 $0xFFFFF086  }
0x25: {  	[simem:s6], [sflag:s4] =	dma.local [hbm:s3], $0xF7A  }
0x26: {  	[smem:$0x3F9F] =	sst s1;
	(tag) =	ssettag s2;
	_ =	strace s9  }
0x27: {  	s1 =	sld [smem:$0x3FAF]  }
0x28: {  	s2 =	sld [smem:$0x3FB0]  }
0x29: {  	s4 =	sld [smem:$0x3FB2]  }
0x2a: {  	p0 =	seq.s32 s5, $0x0;
	s5 =	sld [smem:$0x3FB3]  }
0x2b: {  	s6 =	sld [smem:$0x3FB4]  }
0x2c: {  	s7 =	sld [smem:$0x3FB5]  }
0x2d: {  	s3 =	simm.s32 $0x108;
	s8 =	sld [smem:$0x3FB6]  }
0x2e: {  	s3 =	simm.s32 @!p0 $0x1082;
	s9 =	sld [smem:$0x3FB7]  }
0x2f: {  	lr =	sadd.s32 s0, s3;
	s0 =	sld [smem:$0x3FAE]  }
0x30: {  	s3 =	sld [smem:$0x3FB1]  }
0x31: {  	[smem:$0x3FBA] =	sst s10  }
0x32: {  	s10 =	sld [smem:$0x3FB8];
	_ =	sdelay $0x3  }
0x33: {  	p0 =	seq.s32 s10, $0x1;
	s10 =	sld [smem:$0x3FBA];
	_ =	sdelay $0x3  }
0x34: {  	[smem:$0x3FBA] =	sst s10  }
0x35: {  	s10 =	sld [smem:$0x3FB9];
	_ =	sdelay $0x3  }
0x36: {  	p1 =	seq.s32 s10, $0x1;
	s10 =	sld [smem:$0x3FBA];
	_ =	sdelay $0x3  }
0x37: {  	[smem:$0x3FBA] =	sst s10  }
0x38: {  	s10 =	sld [smem:$0x3FBB]  }
0x39: {  	_ = 	snop;
	(pc) =	sbr.ind lr, $3  }
0x3a: {  	_ = 	snop  }
0x3b: {  	_ = 	snop  }
0x3c: {  	p2 =	seq.s32 s10, $0x1;
	s10 =	sld [smem:$0x3FBA]  }
0x3d: {  	_ =	shalt  }
0x3e: {  	_ =	shalt  }
0x3f: {  	_ =	shalt  }
0x40: {  	_ =	shalt  }
0x41: {  	_ =	shalt  }
0x42: {  	_ =	shalt  }
0x43: {  	_ =	shalt  }
0x44: {  	_ =	shalt  }
0x45: {  	_ =	shalt  }
0x46: {  	_ =	shalt  }
0x47: {  	_ =	shalt  }
0x48: {  	_ =	shalt  }
0x49: {  	_ =	shalt  }
0x4a: {  	_ =	shalt  }
0x4b: {  	_ =	shalt  }
0x4c: {  	_ =	shalt  }
0x4d: {  	_ =	shalt  }
0x4e: {  	_ =	shalt  }
0x4f: {  	_ =	shalt  }
0x50: {  	_ =	shalt  }
0x51: {  	_ =	shalt  }
0x52: {  	_ =	shalt  }
0x53: {  	_ =	shalt  }
0x54: {  	_ =	shalt  }
0x55: {  	_ =	shalt  }
0x56: {  	_ =	shalt  }
0x57: {  	_ =	shalt  }
0x58: {  	_ =	shalt  }
0x59: {  	_ =	shalt  }
0x5a: {  	_ =	shalt  }
0x5b: {  	_ =	shalt  }
0x5c: {  	_ =	shalt  }
0x5d: {  	_ =	shalt  }
0x5e: {  	_ =	shalt  }
0x5f: {  	_ =	shalt  }
0x60: {  	_ =	shalt  }
0x61: {  	_ =	shalt  }
0x62: {  	_ =	shalt  }
0x63: {  	_ =	shalt  }
0x64: {  	_ =	shalt  }
0x65: {  	_ =	shalt  }
0x66: {  	_ =	shalt  }
0x67: {  	_ =	shalt  }
0x68: {  	_ =	shalt  }
0x69: {  	_ =	shalt  }
0x6a: {  	_ =	shalt  }
0x6b: {  	_ =	shalt  }
0x6c: {  	_ =	shalt  }
0x6d: {  	_ =	shalt  }
0x6e: {  	_ =	shalt  }
0x6f: {  	_ =	shalt  }
0x70: {  	_ =	shalt  }
0x71: {  	_ =	shalt  }
0x72: {  	_ =	shalt  }
0x73: {  	_ =	shalt  }
0x74: {  	_ =	shalt  }
0x75: {  	_ =	shalt  }
0x76: {  	_ =	shalt  }
0x77: {  	_ =	shalt  }
0x78: {  	_ =	shalt  }
0x79: {  	_ =	shalt  }
0x7a: {  	_ =	shalt  }
0x7b: {  	_ =	shalt  }
0x7c: {  	_ =	shalt  }
0x7d: {  	_ =	shalt  }
0x7e: {  	_ =	shalt  }
0x7f: {  	_ =	shalt  }
0x80: {  	_ =	shalt  }
0x81: {  	_ =	shalt  }
0x82: {  	_ =	shalt  }
0x83: {  	_ =	shalt  }
0x84: {  	_ =	shalt  }
0x85: {  	_ =	shalt  }
0x86: {  	_ =	shalt  }
0x87: {  	_ =	shalt  }
.Lfunc_end0:
.L_simem_size_0:
called_computation_lowered:
.L_overlay_start_0:
0x88: {  	s2 =	sld [smem:$0x3FD9]  }
0x89: {  	s3 =	sld [smem:$0x3FFE];
	_ =	sdelay $0x1  }
0x8a: {  	s1 =	srdreg.scid  }
0x8b: {  	s0 =	sand.u32 $0x1, s1  }
0x8c: {  	s17 =	sshll.u32 s0, $0xA;
	s2 =	sadd.s32 s3, s2  }
0x8d: {  	s2 =	sadd.s32 s2, s17  }
0x8e: {  	[smem:$0x3FC6] =	sst s2  }
0x8f: {  	_ = 	snop  }
0x90: {  	s2 =	sld [smem:$0x3FC9]  }
0x91: {  	s18 =	sld [smem:$0x3FC8];
	(tm) =	ssettm $0x1  }
0x92: {  	s4 =	sld [smem:$0x3FFB];
	_ =	sdelay $0x3  }
0x93: {  	_ =	strace s4  }
0x94: {  	s4 =	sld [smem:$0x3FFC];
	_ =	sdelay $0x3  }
0x95: {  	_ =	strace s4  }
0x96: {  	s4 =	sld [smem:$0x3FFD];
	_ =	sdelay $0x3  }
0x97: {  	_ =	strace s4  }
0x98: {  	_ =	strace $0x8FFFFFFF  }
0x99: {  	s19 =	sld [smem:$0x3FDB];
	_ =	sdelay $0x1  }
0x9a: {  	s5 =	simm.s32 $_scs_section_size  }
0x9b: {  	s6 =	simm.s32 $_size__tile_overlayer_lowered;
	s7 =	simm.s32 $_tile_overlayer_lowered  }
0x9c: {  	s22 =	simm.s32 $0x1BFF;
	s21 =	sshll.u32 s7, $0x1;
	s4 =	sadd.s32 s5, s19  }
0x9d: {  	s8 =	simm.s32 $0x0;
	s20 =	sshll.u32 s6, $0x1;
	s6 =	sadd.s32 s21, s4  }
0x9e: {  	[timem:s8], [sflag:s22] =	dma.local [hbm:s6], s20  }
0x9f: {  	_ =	swait.ge [sflag:s22], s20  }
0xa0: {  	s5 =	ssub.s32 $0x0, s20;
	[sflag:s22] =	ssyncset.done $0x0  }
0xa1: {  	[sflag:s22] =	ssyncadd.s32 s5;
	_ =	sdelay $0x1  }
0xa2: {  	s23 =	simm.s32 $0x1B8B  }
0xa3: {  	_ =	swait.ge [sflag:s23], $0x1  }
0xa4: {  	[sflag:s23] =	ssyncset.done $0x0  }
0xa5: {  	s25 =	simm.s32 $0x1B8E;
	s24 =	sld [smem:$0x3FFE];
	[sflag:s23] =	ssyncadd.s32 $0xFFFFFFFF  }
0xa6: {  	s26 =	simm.s32 $execute0_lowered;
	[smem:$0x3FD2] =	sst s25  }
0xa7: {  	s6 =	sshll.u32 s26, $0x1;
	_ =	strace $0x80000046;
	[dreg:$0x1] =	wrdreg $0xFFFFFFFF  }
0xa8: {  	s28 =	simm.s32 $_size_execute0_lowered;
	s4 =	sadd.s32 s4, s6;
	[dreg:$0x0] =	wrdreg $0x0  }
0xa9: {  	s6 =	sshll.u32 s28, $0x1;
	[dreg:$0x2] =	wrdreg s4  }
0xaa: {  	[dreg:$0x3] =	wrdreg s6  }
0xab: {  	[dreg:$0x4] =	wrdreg $0xC0  }
0xac: {  	_ =	task [dreg:s8], $0x5FFFF  }
0xad: {  	[dreg:$0x1] =	wrdreg $0xFFFFFFFF  }
0xae: {  	[dreg:$0x0] =	wrdreg $0x60  }
0xaf: {  	[dreg:$0x2] =	wrdreg s2  }
0xb0: {  	[dreg:$0x3] =	wrdreg s18  }
0xb1: {  	[dreg:$0x4] =	wrdreg s24  }
0xb2: {  	[dreg:$0x5] =	wrdreg $0x9  }
0xb3: {  	_ =	task.clear_ibuf [dreg:s8], $0x6FFFF;
	_ =	strace $0x90000046  }
0xb4: {  	s29 =	simm.s32 $0x9;
	_ =	strace $0x80000048  }
0xb5: {  	_ =	swait.ge [sflag:s29], $0x1  }
0xb6: {  	[sflag:s29] =	ssyncadd.s32 $0xFFFFFFFF  }
0xb7: {  	_ =	strace $0x90000048  }
0xb8: {  	_ =	sfence  }
0xb9: {  	s30 =	sld [smem:$0x0];
	_ =	sdelay $0x2  }
0xba: {  	s31 =	sshll.u32 s1, $0xD;
	s1 =	sshrl.u32 s1, $0x2  }
0xbb: {  	s3 =	sand.u32 $0x4000, s31;
	s1 =	sadd.s32 s1, s30  }
0xbc: {  	s0 =	sor.u32 s3, s0;
	s1 =	sshll.u32 s1, $0x11  }
0xbd: {  	s0 =	sor.u32 s1, s0  }
0xbe: {  	s0 =	sadd.s32 $0x8F2B, s0  }
0xbf: {  	[sflag:s0] =	ssyncadd.remote.s32 $0x1  }
0xc0: {  	_ =	sfence.sel $0xFFFF  }
0xc1: {  	[dreg:$0x0] =	wrdreg $0xFFFFFFFF;
	(pc) =	sbr.abs _section_cstart, $3  }
0xc2: {  	[dreg:$0x1] =	wrdreg $0xFFFFFFFF  }
0xc3: {  	_ =	task.clear_ibuf [dreg:s8], $0x2FFFF;
	_ =	strace $0x9FFFFFFF  }
0xc4: {  	(tm) =	ssettm $0x7FFFFFFF  }
0xc5: {  	_ =	shalt  }
tec
execute0_lowered:
.L_overlay_start_1:
0x0: {  	(tag) =	ssettag $0x1  }
0x1: {  	s1 =	rddreg [dreg:$0x0]  }
0x2: {  	s6 =	rddreg [dreg:$0x1]  }
0x3: {  	s5 =	rddreg [dreg:$0x2]  }
0x4: {  	s0 =	rddreg [dreg:$0x3];
	s4 =	srdreg.scid  }
0x5: {  	s3 =	simm.s32 $0x0;
	s2 =	stileid.u32;
	s10 =	simm.s32 $0x80  }
0x6: {  	s11 =	simm.s32 $0x1000;
	s12 =	simm.s32 $0x5000;
	s13 =	simm.s32 $0x9000  }
0x7: {  	s14 =	simm.s32 $0xD000;
	s15 =	simm.s32 $0x1;
	s16 =	simm.s32 $0x11000  }
0x8: {  	s17 =	simm.s32 $0x2;
	s18 =	simm.s32 $0x3;
	s19 =	simm.s32 $0x0  }
0x9: {  	s4 =	sand.u32 $0x1, s4;
	[smem:$0x7FF] =	sst s3;
	s7 =	sshll.u32 s2, $0x6  }
0xa: {  	s5 =	sadd.s32 $0x400, s5;
	s8 =	sshll.u32 s4, $0x5;
	s9 =	ssub.s32 $0x2, s4  }
0xb: {  	_ =	strace $0x80000047;
	s4 =	sor.u32 s8, s7;
	s31 =	sshrl.u32 s9, $0x1  }
0xc: {  	s8 =	sshll.u32 s4, $0x4;
	s9 =	ssub.s32 s9, s31;
	s7 =	sshll.u32 s4, $0x7  }
0xd: {  	s6 =	sadd.s32 s6, s8;
	s8 =	smax.u32 s9, $0x1;
	s9 =	simm.s32 $0x4  }
.LBB2_1:
0xe: {  	[tilespmem:s3], [sflag:$0x4] =	stream.linear.gather [hbm4b:s6+s3], $0x1000, $0x38;
	[tilespmem:$0x19000] =	vst v63  }
0xf: {  	_ =	swait.ge [sflag:s9], $0x1000  }
0x10: {  	[sflag:s9] =	ssyncset.done $0x0  }
0x11: {  	[sflag:s9] =	ssyncadd.s32 $0xFFFFF000  }
0x12: {  	[tilespmem:s11], [sflag:$0x1] =	stream.indirect.gather [hbm4b:s1+s10], $0x80, s3, s10, $0xb8;
	[tilespmem:$0x19000] =	vst v63  }
0x13: {  	s22 =	simm.s32 $0x0  }
0x14: {  	[tilespmem:s12], [sflag:$0x1] =	stream.indirect.gather [hbm4b:s1+s10], $0x80, s10, s10, $0xb8;
	[tilespmem:$0x19000] =	vst v63  }
.LBB2_2:
0x15: {  	s20 =	sshll.u32 s22, $0x2  }
0x16: {  	s21 =	sor.u32 $0x2, s20  }
0x17: {  	s23 =	sshll.u32 s21, $0x7  }
0x18: {  	s24 =	sshll.u32 s22, $0x9;
	s23 =	sand.u32 $0x3FFFFF00, s23  }
0x19: {  	[tilespmem:s13], [sflag:$0x2] =	stream.indirect.gather [hbm4b:s1+s10], $0x80, s23, s10, $0xb8;
	[tilespmem:$0x19000] =	vst v63  }
0x1a: {  	s23 =	sand.u32 $0x3FFFFE00, s24  }
0x1b: {  	s25 =	sor.u32 $0x180, s23  }
0x1c: {  	[tilespmem:s14], [sflag:$0x2] =	stream.indirect.gather [hbm4b:s1+s10], $0x80, s25, s10, $0xb8;
	[tilespmem:$0x19000] =	vst v63  }
0x1d: {  	_ =	swait.ge [sflag:s15], $0x4000  }
0x1e: {  	[sflag:s15] =	ssyncset.done $0x0  }
0x1f: {  	[sflag:s15] =	ssyncadd.s32 $0xFFFFC000  }
0x20: {  	_ =	swait.ge [sflag:s15], $0x4000  }
0x21: {  	p0 =	seq.s32 s22, $0x0;
	[sflag:s15] =	ssyncset.done $0x0  }
0x22: {  	s25 =	simm.s32 @!p0 $0x3;
	[sflag:s15] =	ssyncadd.s32 $0xFFFFC000  }
0x23: {  	_ =	swait.ge @!p0 [sflag:s25], $0x8000  }
0x24: {  	[sflag:s25] =	ssyncset.done @!p0 $0x0  }
0x25: {  	[sflag:s25] =	ssyncadd.s32 @!p0 $0xFFFF8000;
	s25 =	simm.s32 $0x0  }
0x26: {  	v0 =	vld [tilespmem:s25+$0x11B0]  }
0x27: {  	v1 =	vld [tilespmem:s25+$0x1000]  }
0x28: {  	v2 =	vld [tilespmem:s25+$0x1010]  }
0x29: {  	v3 =	vld [tilespmem:s25+$0x1020]  }
0x2a: {  	v4 =	vld [tilespmem:s25+$0x1030]  }
0x2b: {  	v5 =	vld [tilespmem:s25+$0x1080];
	[tilespmem:s25+$0x111B0] =	vst v0  }
0x2c: {  	[tilespmem:s25+$0x11000] =	vst v1;
	v0 =	vld [tilespmem:s25+$0x1090]  }
0x2d: {  	[tilespmem:s25+$0x11010] =	vst v2;
	v1 =	vld [tilespmem:s25+$0x10A0]  }
0x2e: {  	[tilespmem:s25+$0x11020] =	vst v3;
	v2 =	vld [tilespmem:s25+$0x10B0]  }
0x2f: {  	[tilespmem:s25+$0x11030] =	vst v4;
	v3 =	vld [tilespmem:s25+$0x1100]  }
0x30: {  	[tilespmem:s25+$0x11080] =	vst v5;
	v4 =	vld [tilespmem:s25+$0x1110]  }
0x31: {  	[tilespmem:s25+$0x11090] =	vst v0;
	v0 =	vld [tilespmem:s25+$0x1120]  }
0x32: {  	[tilespmem:s25+$0x110A0] =	vst v1;
	v1 =	vld [tilespmem:s25+$0x1130]  }
0x33: {  	[tilespmem:s25+$0x110B0] =	vst v2;
	v2 =	vld [tilespmem:s25+$0x1180]  }
0x34: {  	[tilespmem:s25+$0x11100] =	vst v3;
	v3 =	vld [tilespmem:s25+$0x1190]  }
0x35: {  	s26 =	simm.s32 $0x200;
	s28 =	simm.s32 $0x1000;
	[tilespmem:s25+$0x11110] =	vst v4;
	v4 =	vld [tilespmem:s25+$0x11A0]  }
.LBB2_3:
0x36: {  	p0 =	sne.s32 s28, $0x1F800;
	v5 =	vld [tilespmem:s26+$0x11B0];
	[tilespmem:s25+$0x11120] =	vst v0  }
0x37: {  	v0 =	vld [tilespmem:s26+$0x1000];
	[tilespmem:s25+$0x11130] =	vst v1  }
0x38: {  	v1 =	vld [tilespmem:s26+$0x1010];
	[tilespmem:s25+$0x11180] =	vst v2  }
0x39: {  	v2 =	vld [tilespmem:s26+$0x1020];
	[tilespmem:s25+$0x11190] =	vst v3  }
0x3a: {  	v3 =	vld [tilespmem:s26+$0x1030];
	[tilespmem:s25+$0x111A0] =	vst v4;
	s25 =	smov.u32 s26  }
0x3b: {  	v4 =	vld [tilespmem:s25+$0x1080];
	[tilespmem:s25+$0x111B0] =	vst v5  }
0x3c: {  	[tilespmem:s25+$0x11000] =	vst v0;
	v0 =	vld [tilespmem:s25+$0x1090]  }
0x3d: {  	[tilespmem:s25+$0x11010] =	vst v1;
	v1 =	vld [tilespmem:s25+$0x10A0]  }
0x3e: {  	[tilespmem:s25+$0x11020] =	vst v2;
	v2 =	vld [tilespmem:s25+$0x10B0]  }
0x3f: {  	[tilespmem:s25+$0x11030] =	vst v3;
	v3 =	vld [tilespmem:s25+$0x1100]  }
0x40: {  	[tilespmem:s25+$0x11080] =	vst v4;
	v4 =	vld [tilespmem:s25+$0x1110]  }
.Ltmp0:
0x41: {  	[tilespmem:s25+$0x11090] =	vst v0;
	v0 =	vld [tilespmem:s25+$0x1120];
	(pc) =	sbr.rel @p0 .LBB2_3-.Ltmp0, $4  }
0x42: {  	[tilespmem:s25+$0x110A0] =	vst v1;
	v1 =	vld [tilespmem:s25+$0x1130]  }
0x43: {  	[tilespmem:s25+$0x110B0] =	vst v2;
	v2 =	vld [tilespmem:s25+$0x1180]  }
0x44: {  	[tilespmem:s25+$0x11100] =	vst v3;
	v3 =	vld [tilespmem:s25+$0x1190]  }
0x45: {  	s26 =	sshra.s32 s28, $0x2;
	s28 =	sadd.s32 $0x800, s28;
	[tilespmem:s25+$0x11110] =	vst v4;
	v4 =	vld [tilespmem:s25+$0x11A0]  }
0x46: {  	v5 =	vld [tilespmem:s26+$0x11B0];
	[tilespmem:s25+$0x11120] =	vst v0  }
0x47: {  	v0 =	vld [tilespmem:s26+$0x1000];
	[tilespmem:s25+$0x11130] =	vst v1  }
0x48: {  	v1 =	vld [tilespmem:s26+$0x1010];
	[tilespmem:s25+$0x11180] =	vst v2  }
0x49: {  	v2 =	vld [tilespmem:s26+$0x1020];
	[tilespmem:s25+$0x11190] =	vst v3  }
0x4a: {  	v3 =	vld [tilespmem:s26+$0x1030];
	[tilespmem:s25+$0x111A0] =	vst v4  }
0x4b: {  	v4 =	vld [tilespmem:s26+$0x1080];
	[tilespmem:s26+$0x111B0] =	vst v5  }
0x4c: {  	[tilespmem:s26+$0x11000] =	vst v0;
	v0 =	vld [tilespmem:s26+$0x1090]  }
0x4d: {  	[tilespmem:s26+$0x11010] =	vst v1;
	v1 =	vld [tilespmem:s26+$0x10A0]  }
0x4e: {  	[tilespmem:s26+$0x11020] =	vst v2;
	v2 =	vld [tilespmem:s26+$0x10B0]  }
0x4f: {  	[tilespmem:s26+$0x11030] =	vst v3;
	v3 =	vld [tilespmem:s26+$0x1100]  }
0x50: {  	[tilespmem:s26+$0x11080] =	vst v4;
	v4 =	vld [tilespmem:s26+$0x1110]  }
0x51: {  	s24 =	sadd.s32 s7, s24;
	s30 =	sand.u32 $0x1, s22;
	[tilespmem:s26+$0x11090] =	vst v0;
	v0 =	vld [tilespmem:s26+$0x1120]  }
0x52: {  	p0 =	seq.s32 s24, $0x0;
	p1 =	seq.s32 s30, $0x1;
	[tilespmem:s26+$0x110A0] =	vst v1;
	v1 =	vld [tilespmem:s26+$0x1130]  }
0x53: {  	p0 =	por !p0, !p1;
	[tilespmem:s26+$0x110B0] =	vst v2;
	v2 =	vld [tilespmem:s26+$0x1180]  }
0x54: {  	p0 =	por !p0, !p0;
	s25 =	simm.s32 $0x1;
	[tilespmem:s26+$0x11100] =	vst v3;
	v3 =	vld [tilespmem:s26+$0x1190]  }
0x55: {  	s24 =	sshrl.u32 s24, $0xA;
	s25 =	simm.s32 @!p0 $0x0;
	[tilespmem:s26+$0x11110] =	vst v4;
	v4 =	vld [tilespmem:s26+$0x11A0]  }
0x56: {  	s31 =	sshll.u32 s22, $0x10;
	s24 =	ssub.s32 s24, s25;
	[tilespmem:s26+$0x11120] =	vst v0  }
0x57: {  	s25 =	sand.u32 $0x10000, s31;
	s24 =	sshll.u32 s24, $0x11;
	[tilespmem:s26+$0x11130] =	vst v1  }
0x58: {  	s24 =	sor.u32 s25, s24;
	[tilespmem:s26+$0x11180] =	vst v2  }
0x59: {  	s24 =	sshrl.u32 s24, $0x3;
	[tilespmem:s26+$0x11190] =	vst v3  }
0x5a: {  	p0 =	seq.s32 s22, $0x7;
	s24 =	sadd.s32 s5, s24;
	[tilespmem:s26+$0x111A0] =	vst v4  }
0x5b: {  	[hbm4b:s24+s3] =	stream.linear.scatter [tilespmem:s16], [sflag:$0x3], $0x8000, $0x38;
	[tilespmem:$0x19000] =	vst v63  }
0x5c: {  	s25 =	simm.s32 @!p0 $0x80;
	s26 =	simm.s32 @!p0 $0x1000;
	s24 =	sadd.s32 @!p0 $0x200, s23  }
0x5d: {  	[tilespmem:s26], [sflag:$0x1] =	stream.indirect.gather @!p0 [hbm4b:s1+s25], $0x80, s24, s25, $0xb8;
	[tilespmem:$0x19000] =	vst v63  }
0x5e: {  	s23 =	sadd.s32 @!p0 $0x280, s23;
	s24 =	simm.s32 @!p0 $0x5000  }
0x5f: {  	[tilespmem:s24], [sflag:$0x1] =	stream.indirect.gather @!p0 [hbm4b:s1+s25], $0x80, s23, s25, $0xb8;
	[tilespmem:$0x19000] =	vst v63  }
0x60: {  	_ =	swait.ge [sflag:s17], $0x4000  }
0x61: {  	[sflag:s17] =	ssyncset.done $0x0  }
0x62: {  	[sflag:s17] =	ssyncadd.s32 $0xFFFFC000  }
0x63: {  	_ =	swait.ge [sflag:s17], $0x4000  }
0x64: {  	[sflag:s17] =	ssyncset.done $0x0  }
0x65: {  	[sflag:s17] =	ssyncadd.s32 $0xFFFFC000  }
0x66: {  	_ =	swait.ge [sflag:s18], $0x8000  }
0x67: {  	[sflag:s18] =	ssyncset.done $0x0  }
0x68: {  	s23 =	simm.s32 $0x0;
	[sflag:s18] =	ssyncadd.s32 $0xFFFF8000  }
0x69: {  	v0 =	vld [tilespmem:s23+$0x91B0]  }
0x6a: {  	v1 =	vld [tilespmem:s23+$0x9000]  }
0x6b: {  	v2 =	vld [tilespmem:s23+$0x9010]  }
0x6c: {  	v3 =	vld [tilespmem:s23+$0x9020]  }
0x6d: {  	v4 =	vld [tilespmem:s23+$0x9030]  }
0x6e: {  	v5 =	vld [tilespmem:s23+$0x9080];
	[tilespmem:s23+$0x111B0] =	vst v0  }
0x6f: {  	[tilespmem:s23+$0x11000] =	vst v1;
	v0 =	vld [tilespmem:s23+$0x9090]  }
0x70: {  	[tilespmem:s23+$0x11010] =	vst v2;
	v1 =	vld [tilespmem:s23+$0x90A0]  }
0x71: {  	[tilespmem:s23+$0x11020] =	vst v3;
	v2 =	vld [tilespmem:s23+$0x90B0]  }
0x72: {  	[tilespmem:s23+$0x11030] =	vst v4;
	v3 =	vld [tilespmem:s23+$0x9100]  }
0x73: {  	[tilespmem:s23+$0x11080] =	vst v5;
	v4 =	vld [tilespmem:s23+$0x9110]  }
0x74: {  	[tilespmem:s23+$0x11090] =	vst v0;
	v0 =	vld [tilespmem:s23+$0x9120]  }
0x75: {  	[tilespmem:s23+$0x110A0] =	vst v1;
	v1 =	vld [tilespmem:s23+$0x9130]  }
0x76: {  	[tilespmem:s23+$0x110B0] =	vst v2;
	v2 =	vld [tilespmem:s23+$0x9180]  }
0x77: {  	[tilespmem:s23+$0x11100] =	vst v3;
	v3 =	vld [tilespmem:s23+$0x9190]  }
0x78: {  	s22 =	sadd.s32 $0x1, s22;
	s24 =	simm.s32 $0x200;
	s25 =	simm.s32 $0x1000;
	[tilespmem:s23+$0x11110] =	vst v4;
	v4 =	vld [tilespmem:s23+$0x91A0]  }
.LBB2_5:
0x79: {  	p0 =	sne.s32 s25, $0x1F800;
	v5 =	vld [tilespmem:s24+$0x91B0];
	[tilespmem:s23+$0x11120] =	vst v0  }
0x7a: {  	v0 =	vld [tilespmem:s24+$0x9000];
	[tilespmem:s23+$0x11130] =	vst v1  }
0x7b: {  	v1 =	vld [tilespmem:s24+$0x9010];
	[tilespmem:s23+$0x11180] =	vst v2  }
0x7c: {  	v2 =	vld [tilespmem:s24+$0x9020];
	[tilespmem:s23+$0x11190] =	vst v3  }
0x7d: {  	v3 =	vld [tilespmem:s24+$0x9030];
	[tilespmem:s23+$0x111A0] =	vst v4;
	s23 =	smov.u32 s24  }
0x7e: {  	v4 =	vld [tilespmem:s23+$0x9080];
	[tilespmem:s23+$0x111B0] =	vst v5  }
0x7f: {  	[tilespmem:s23+$0x11000] =	vst v0;
	v0 =	vld [tilespmem:s23+$0x9090]  }
0x80: {  	[tilespmem:s23+$0x11010] =	vst v1;
	v1 =	vld [tilespmem:s23+$0x90A0]  }
0x81: {  	[tilespmem:s23+$0x11020] =	vst v2;
	v2 =	vld [tilespmem:s23+$0x90B0]  }
0x82: {  	[tilespmem:s23+$0x11030] =	vst v3;
	v3 =	vld [tilespmem:s23+$0x9100]  }
0x83: {  	[tilespmem:s23+$0x11080] =	vst v4;
	v4 =	vld [tilespmem:s23+$0x9110]  }
.Ltmp1:
0x84: {  	[tilespmem:s23+$0x11090] =	vst v0;
	v0 =	vld [tilespmem:s23+$0x9120];
	(pc) =	sbr.rel @p0 .LBB2_5-.Ltmp1, $4  }
0x85: {  	[tilespmem:s23+$0x110A0] =	vst v1;
	v1 =	vld [tilespmem:s23+$0x9130]  }
0x86: {  	[tilespmem:s23+$0x110B0] =	vst v2;
	v2 =	vld [tilespmem:s23+$0x9180]  }
0x87: {  	[tilespmem:s23+$0x11100] =	vst v3;
	v3 =	vld [tilespmem:s23+$0x9190]  }
0x88: {  	s24 =	sshra.s32 s25, $0x2;
	s25 =	sadd.s32 $0x800, s25;
	[tilespmem:s23+$0x11110] =	vst v4;
	v4 =	vld [tilespmem:s23+$0x91A0]  }
0x89: {  	v5 =	vld [tilespmem:s24+$0x91B0];
	[tilespmem:s23+$0x11120] =	vst v0  }
0x8a: {  	v0 =	vld [tilespmem:s24+$0x9000];
	[tilespmem:s23+$0x11130] =	vst v1  }
0x8b: {  	v1 =	vld [tilespmem:s24+$0x9010];
	[tilespmem:s23+$0x11180] =	vst v2  }
0x8c: {  	v2 =	vld [tilespmem:s24+$0x9020];
	[tilespmem:s23+$0x11190] =	vst v3  }
0x8d: {  	v3 =	vld [tilespmem:s24+$0x9030];
	[tilespmem:s23+$0x111A0] =	vst v4  }
0x8e: {  	v4 =	vld [tilespmem:s24+$0x9080];
	[tilespmem:s24+$0x111B0] =	vst v5  }
0x8f: {  	v54 =	vld [tilespmem:s24+$0x9090];
	[tilespmem:s24+$0x11000] =	vst v0  }
0x90: {  	v55 =	vld [tilespmem:s24+$0x90A0];
	[tilespmem:s24+$0x11010] =	vst v1  }
0x91: {  	v56 =	vld [tilespmem:s24+$0x90B0];
	[tilespmem:s24+$0x11020] =	vst v2  }
0x92: {  	v57 =	vld [tilespmem:s24+$0x9100];
	[tilespmem:s24+$0x11030] =	vst v3  }
0x93: {  	v58 =	vld [tilespmem:s24+$0x9110];
	[tilespmem:s24+$0x11080] =	vst v4  }
0x94: {  	v59 =	vld [tilespmem:s24+$0x9120];
	[tilespmem:s24+$0x11090] =	vst v54  }
0x95: {  	v60 =	vld [tilespmem:s24+$0x9130];
	[tilespmem:s24+$0x110A0] =	vst v55  }
0x96: {  	v61 =	vld [tilespmem:s24+$0x9180];
	[tilespmem:s24+$0x110B0] =	vst v56  }
0x97: {  	v62 =	vld [tilespmem:s24+$0x9190];
	[tilespmem:s24+$0x11100] =	vst v57  }
0x98: {  	v63 =	vld [tilespmem:s24+$0x91A0];
	[tilespmem:s24+$0x11110] =	vst v58  }
0x99: {  	p0 =	sne.s32 s22, $0x8;
	[tilespmem:s24+$0x11120] =	vst v59  }
.Ltmp2:
0x9a: {  	s20 =	sadd.s32 s4, s20;
	s21 =	sshll.u32 s21, $0xB;
	[tilespmem:s24+$0x11130] =	vst v60;
	(pc) =	sbr.rel @p0 .LBB2_2-.Ltmp2, $4  }
0x9b: {  	s20 =	sshll.u32 s20, $0xB;
	s21 =	sand.u32 $0x3000, s21;
	[tilespmem:s24+$0x11180] =	vst v61  }
0x9c: {  	s20 =	sand.u32 $0x1FC000, s20;
	s21 =	sadd.s32 s5, s21;
	[tilespmem:s24+$0x11190] =	vst v62  }
0x9d: {  	s20 =	sadd.s32 s20, s21;
	[tilespmem:s24+$0x111A0] =	vst v63  }
0x9e: {  	[hbm4b:s20+s3] =	stream.linear.scatter [tilespmem:s16], [sflag:$0x3], $0x8000, $0x38;
	[tilespmem:$0x19000] =	vst v63  }
0x9f: {  	s19 =	sadd.s32 $0x1, s19  }
0xa0: {  	p0 =	sne.s32 s19, s8  }
.Ltmp3:
0xa1: {  	_ = 	snop;
	(pc) =	sbr.rel @p0 .LBB2_1-.Ltmp3, $4  }
0xa2: {  	_ = 	snop  }
0xa3: {  	_ =	swait.ge [sflag:s18], $0x8000  }
0xa4: {  	[sflag:s18] =	ssyncset.done $0x0  }
0xa5: {  	[sflag:s18] =	ssyncadd.s32 $0xFFFF8000  }
0xa6: {  	_ =	sfence.sel $0x180000  }
0xa7: {  	[bflag:$0x0] =	sbarrier.arrive $0xFFFF  }
0xa8: {  	p0 =	sne.s32 s2, $0x0;
	_ =	strace $0x90000047  }
0xa9: {  	s0 =	sadd.s32 @!p0 $0x100000, s0;
	[bflag:$0x2] =	sbarrier.arrive $0xFFFF  }
0xaa: {  	[sflag:s0] =	ssyncadd.tile.s32 @!p0 $0x1;
	_ =	shalt  }
.Lfunc_end2:
_tile_overlayer_lowered:
.L_overlay_start_2:
0xab: {  	(tag) =	ssettag $0x2  }
0xac: {  	s0 =	rddreg [dreg:$0x0];
	s2 =	stileid.u32  }
0xad: {  	s1 =	rddreg [dreg:$0x1];
	p0 =	sne.s32 s2, $0x0  }
0xae: {  	s3 =	rddreg [dreg:$0x2];
	[bflag:$0x3] =	sbarrier.arrive $0xFFFF;
	s2 =	simm.s32 @!p0 $0x1C04  }
0xaf: {  	[timem:s3], [sflag:s2] =	dma.local @!p0 [hbm:s0], s1  }
0xb0: {  	s0 =	simm.s32 @!p0 $0x4  }
0xb1: {  	_ =	swait.ge @!p0 [sflag:s0], s1  }
0xb2: {  	s1 =	ssub.s32 @!p0 $0x0, s1;
	[sflag:s0] =	ssyncset.done @!p0 $0x0  }
0xb3: {  	[sflag:s0] =	ssyncadd.s32 @!p0 s1  }
0xb4: {  	[bflag:$0x3] =	sbarrier.arrive $0xFFFF  }
0xb5: {  	_ =	shalt  }

</sc_bundles>
